<compile_context>
chip_gen: v7x
topology: tpu7x:2x2x1
jax: 0.10.2.dev20260603
libtpu: 0.0.44.dev20260713+nightly
codegen_flags: <defaults>
</compile_context>

<pallas_src>
import functools

import jax
import jax.numpy as jnp
from jax import lax
from jax.experimental import pallas as pl
from jax.experimental.pallas import tpu as pltpu
from jax.experimental.pallas import tpu_sc as plsc

VOCAB = 1000
VPAD = 1024
BT = 51200
NW = 32
RPW = BT // NW
CH = 32
NCH = RPW // CH
LANES = 16


def _lse_body(p_ref, o_ref, t_ref):
    x = p_ref[...]
    m = jnp.max(x, axis=1)
    s = jnp.sum(jnp.exp(x - m[:, None]), axis=1)
    lse = m + jnp.log(s)
    o_ref[...] = jnp.concatenate(
        [lse, jnp.zeros((VPAD - VOCAB,), jnp.float32)])
    t_ref[...] = jnp.pad(x, ((0, 0), (0, VPAD - VOCAB)))


def _row_lse(params):
    return pl.pallas_call(
        _lse_body,
        out_shape=(jax.ShapeDtypeStruct((VPAD,), jnp.float32),
                   jax.ShapeDtypeStruct((VOCAB, VPAD), jnp.float32)),
    )(params)


_mesh = plsc.VectorSubcoreMesh(core_axis_name="c", subcore_axis_name="s")


@functools.partial(
    pl.kernel,
    mesh=_mesh,
    compiler_params=pltpu.CompilerParams(needs_layout_passes=False),
    out_type=(
        jax.ShapeDtypeStruct((BT, VPAD), jnp.float32),
        jax.ShapeDtypeStruct((NW, LANES), jnp.float32),
    ),
    scratch_types=[
        pltpu.VMEM((NCH, CH), jnp.int32),
        pltpu.VMEM((NCH, CH), jnp.int32),
        pltpu.VMEM((VPAD,), jnp.float32),
        pltpu.VMEM((CH, VPAD), jnp.float32),
        pltpu.VMEM((CH, VPAD), jnp.float32),
        pltpu.VMEM((CH, VPAD), jnp.float32),
        pltpu.VMEM((LANES,), jnp.float32),
        pltpu.SemaphoreType.DMA,
        pltpu.SemaphoreType.DMA,
        pltpu.SemaphoreType.DMA,
        pltpu.SemaphoreType.DMA,
        pltpu.SemaphoreType.DMA,
        pltpu.SemaphoreType.DMA,
    ],
)
def _sc_kernel(tab_hbm, idx_hbm, tgt_hbm, lse_hbm, out_hbm, part_hbm,
               idx_v, tgt_v, lse_v, buf_a, buf_b, buf_c, acc_v,
               sem_ga, sem_gb, sem_gc, sem_wa, sem_wb, sem_wc):
    wid = lax.axis_index("s") * 2 + lax.axis_index("c")
    base = wid * RPW
    pltpu.sync_copy(idx_hbm.at[wid], idx_v)
    pltpu.sync_copy(tgt_hbm.at[wid], tgt_v)
    pltpu.sync_copy(lse_hbm, lse_v)

    bufs = (buf_a, buf_b, buf_c)
    gsems = (sem_ga, sem_gb, sem_gc)
    wsems = (sem_wa, sem_wb, sem_wc)

    def start_gather(cc, slot, dyn_guard, static_skip_drain=False):
        buf = bufs[slot]

        def drain():
            pltpu.make_async_copy(
                buf, out_hbm.at[pl.ds(base + (cc - 3) * CH, CH)],
                wsems[slot]).wait()

        if dyn_guard:
            pl.when(cc >= 3)(drain)
        elif not static_skip_drain:
            drain()
        pltpu.async_copy(tab_hbm.at[idx_v.at[cc]], buf, gsems[slot])

    def finish_chunk(cc, slot, acc):
        buf = bufs[slot]
        pltpu.make_async_copy(
            tab_hbm.at[idx_v.at[cc]], buf, gsems[slot]).wait()
        pltpu.async_copy(
            buf, out_hbm.at[pl.ds(base + cc * CH, CH)], wsems[slot])
        for j in range(CH // LANES):
            i_vec = idx_v[cc, pl.ds(j * LANES, LANES)]
            t_vec = tgt_v[cc, pl.ds(j * LANES, LANES)]
            rid = lax.iota(jnp.int32, LANES) + j * LANES
            p_vals = plsc.load_gather(buf, [rid, t_vec])
            lse_vals = plsc.load_gather(lse_v, [i_vec])
            acc = acc + (lse_vals - p_vals)
        return acc

    def chunk_body(c, acc):
        for s in range(3):
            cc = 3 * c + s
            start_gather(cc + 1, (s + 1) % 3, dyn_guard=True)
            acc = finish_chunk(cc, s, acc)
        return acc

    n_main = (NCH // 3) * 3
    start_gather(0, 0, dyn_guard=False, static_skip_drain=True)
    acc = lax.fori_loop(0, NCH // 3, chunk_body,
                        jnp.zeros((LANES,), jnp.float32))
    for cc in range(n_main, NCH):
        if cc + 1 < NCH:
            start_gather(cc + 1, (cc + 1) % 3, dyn_guard=False)
        acc = finish_chunk(cc, cc % 3, acc)
    for cc in range(NCH - 3, NCH):
        slot = cc % 3
        pltpu.make_async_copy(
            bufs[slot], out_hbm.at[pl.ds(base + cc * CH, CH)],
            wsems[slot]).wait()
    acc_v[...] = acc
    pltpu.sync_copy(acc_v, part_hbm.at[wid])


def kernel(params, idx, targets):
    idx3 = idx.astype(jnp.int32).reshape(NW, NCH, CH)
    tgt3 = targets.astype(jnp.int32).reshape(NW, NCH, CH)
    lse, tab = _row_lse(params)
    padded, partials = _sc_kernel(tab, idx3, tgt3, lse)
    logits = padded[:, :VOCAB]
    loss = jnp.sum(partials) / BT
    return (loss, logits)

# --- scband reference (transcript-rebuilt; emitter-appended) ---
"""Pipeline reference for scband-bigram-lm-53652731462423 (READ-ONLY COPY).

The authoritative reference and input builder live on the scoring server;
editing this copy changes nothing except your own understanding.
"""

import jax, jax.numpy as jnp
import numpy as np

VOCAB = 1000
B = 1024
T = 50


def setup_inputs(seed: int = 0) -> dict:
    key = jax.random.key(seed)
    k1, k2, k3 = jax.random.split(key, 3)
    # Learned embedding table [vocab, vocab] (Embed with features == num_embeddings)
    params = jax.random.normal(k1, (VOCAB, VOCAB), dtype=jnp.float32) * 0.02
    idx = jax.random.randint(k2, (B, T), 0, VOCAB, dtype=jnp.int64 if jax.config.jax_enable_x64 else jnp.int32)
    targets = jax.random.randint(k3, (B, T), 0, VOCAB, dtype=jnp.int64 if jax.config.jax_enable_x64 else jnp.int32)
    return {"params": params, "idx": idx, "targets": targets}


def reference(params, idx, targets):
    # logits = embedding gather (row lookup)
    logits = params[idx]  # [B, T, C]
    Bb, Tt, C = logits.shape
    logits = logits.reshape(Bb * Tt, C)
    t = targets.reshape(Bb * Tt)
    # CrossEntropyLoss module: log_softmax + one_hot + mean
    log_probs = jax.nn.log_softmax(logits)
    one_hot_labels = jax.nn.one_hot(t, logits.shape[-1])
    loss = -jnp.mean(jnp.sum(one_hot_labels * log_probs, axis=-1))
    return (loss, logits)

if __name__ == "__main__":
    import jax
    _d = setup_inputs()
    print(jax.jit(kernel)(*tuple(_d.values())))

</pallas_src>

<mosaic_0001>
#map = affine_map<(d0, d1) -> (0, 0)>
#map1 = affine_map<(d0, d1) -> (0, 0, 0)>
#map2 = affine_map<(d0, d1) -> (0)>
module attributes {stable_mosaic.version = 14 : i64} {
  func.func @_sc_kernel(%arg0: i32, %arg1: i32, %arg2: memref<1000x1024xf32, #tpu.memory_space<hbm>>, %arg3: memref<32x50x32xi32, #tpu.memory_space<hbm>>, %arg4: memref<32x50x32xi32, #tpu.memory_space<hbm>>, %arg5: memref<1024xf32, #tpu.memory_space<hbm>>, %arg6: memref<51200x1024xf32, #tpu.memory_space<hbm>>, %arg7: memref<32x16xf32, #tpu.memory_space<hbm>>, %arg8: memref<50x32xi32, #tpu.memory_space<vmem>>, %arg9: memref<50x32xi32, #tpu.memory_space<vmem>>, %arg10: memref<1024xf32, #tpu.memory_space<vmem>>, %arg11: memref<32x1024xf32, #tpu.memory_space<vmem>>, %arg12: memref<32x1024xf32, #tpu.memory_space<vmem>>, %arg13: memref<32x1024xf32, #tpu.memory_space<vmem>>, %arg14: memref<16xf32, #tpu.memory_space<vmem>>, %arg15: memref<!tpu.dma_semaphore, #tpu.memory_space<semaphore_mem>>, %arg16: memref<!tpu.dma_semaphore, #tpu.memory_space<semaphore_mem>>, %arg17: memref<!tpu.dma_semaphore, #tpu.memory_space<semaphore_mem>>, %arg18: memref<!tpu.dma_semaphore, #tpu.memory_space<semaphore_mem>>, %arg19: memref<!tpu.dma_semaphore, #tpu.memory_space<semaphore_mem>>, %arg20: memref<!tpu.dma_semaphore, #tpu.memory_space<semaphore_mem>>) attributes {dimension_semantics = [#tpu.dimension_semantics<core_parallel>, #tpu.dimension_semantics<subcore_parallel>], iteration_bounds = array<i64: 2, 16>, scalar_prefetch = 0 : i64, scratch_operands = 13 : i64, tpu.core_type = #tpu.core_type<sc_vector_subcore>, window_params = [{transform_indices = #map}, {transform_indices = #map1}, {transform_indices = #map1}, {transform_indices = #map2}, {transform_indices = #map}, {transform_indices = #map}]} {
    %mul3A = arith.constant 2 : i32
    %mul3A_0 = arith.muli %arg1, %mul3A : i32
    %add3A = arith.addi %mul3A_0, %arg0 : i32
    %mul3A_1 = arith.constant 1600 : i32
    %mul3A_2 = arith.muli %add3A, %mul3A_1 : i32
    "tpu.region"() ({
      %run_scoped3A = tpu.sem_alloc : memref<!tpu.dma_semaphore, #tpu.memory_space<semaphore_mem>>
      %dma_start3A_132 = arith.constant 0 : i32
      %dma_start3A_133 = arith.constant 0 : i32
      %dma_start3A_134 = tpu.memref_slice %arg3[%add3A, %dma_start3A_132, %dma_start3A_133] : memref<32x50x32xi32, #tpu.memory_space<hbm>> -> memref<1x50x32xi32, #tpu.memory_space<hbm>>
      %dma_start3A_135 = tpu.memref_squeeze %dma_start3A_134 : memref<1x50x32xi32, #tpu.memory_space<hbm>> -> memref<50x32xi32, #tpu.memory_space<hbm>>
      %dma_start3A_136 = arith.constant 0 : i32
      %dma_start3A_137 = arith.constant 0 : i32
      %dma_start3A_138 = tpu.memref_slice %arg3[%add3A, %dma_start3A_136, %dma_start3A_137] : memref<32x50x32xi32, #tpu.memory_space<hbm>> -> memref<1x50x32xi32, #tpu.memory_space<hbm>>
      %dma_start3A_139 = tpu.memref_squeeze %dma_start3A_138 : memref<1x50x32xi32, #tpu.memory_space<hbm>> -> memref<50x32xi32, #tpu.memory_space<hbm>>
      tpu.enqueue_dma source(%dma_start3A_139 : memref<50x32xi32, #tpu.memory_space<hbm>>) target(%arg8 : memref<50x32xi32, #tpu.memory_space<vmem>>) target_semaphore(%run_scoped3A : memref<!tpu.dma_semaphore, #tpu.memory_space<semaphore_mem>>)
      %dma_wait3A_140 = arith.constant 0 : i32
      %dma_wait3A_141 = arith.constant 0 : i32
      %dma_wait3A_142 = tpu.memref_slice %arg3[%add3A, %dma_wait3A_140, %dma_wait3A_141] : memref<32x50x32xi32, #tpu.memory_space<hbm>> -> memref<1x50x32xi32, #tpu.memory_space<hbm>>
      %dma_wait3A_143 = tpu.memref_squeeze %dma_wait3A_142 : memref<1x50x32xi32, #tpu.memory_space<hbm>> -> memref<50x32xi32, #tpu.memory_space<hbm>>
      %dma_wait3A_144 = arith.constant 0 : i32
      %dma_wait3A_145 = arith.constant 0 : i32
      %dma_wait3A_146 = tpu.memref_slice %arg3[%add3A, %dma_wait3A_144, %dma_wait3A_145] : memref<32x50x32xi32, #tpu.memory_space<hbm>> -> memref<1x50x32xi32, #tpu.memory_space<hbm>>
      %dma_wait3A_147 = tpu.memref_squeeze %dma_wait3A_146 : memref<1x50x32xi32, #tpu.memory_space<hbm>> -> memref<50x32xi32, #tpu.memory_space<hbm>>
      tpu.wait_dma2 semaphore(%run_scoped3A : memref<!tpu.dma_semaphore, #tpu.memory_space<semaphore_mem>>) src(%dma_wait3A_147 : memref<50x32xi32, #tpu.memory_space<hbm>>) dst(%arg8 : memref<50x32xi32, #tpu.memory_space<vmem>>)
      tpu.yield
    }) : () -> ()
    "tpu.region"() ({
      %run_scoped3A = tpu.sem_alloc : memref<!tpu.dma_semaphore, #tpu.memory_space<semaphore_mem>>
      %dma_start3A_132 = arith.constant 0 : i32
      %dma_start3A_133 = arith.constant 0 : i32
      %dma_start3A_134 = tpu.memref_slice %arg4[%add3A, %dma_start3A_132, %dma_start3A_133] : memref<32x50x32xi32, #tpu.memory_space<hbm>> -> memref<1x50x32xi32, #tpu.memory_space<hbm>>
      %dma_start3A_135 = tpu.memref_squeeze %dma_start3A_134 : memref<1x50x32xi32, #tpu.memory_space<hbm>> -> memref<50x32xi32, #tpu.memory_space<hbm>>
      %dma_start3A_136 = arith.constant 0 : i32
      %dma_start3A_137 = arith.constant 0 : i32
      %dma_start3A_138 = tpu.memref_slice %arg4[%add3A, %dma_start3A_136, %dma_start3A_137] : memref<32x50x32xi32, #tpu.memory_space<hbm>> -> memref<1x50x32xi32, #tpu.memory_space<hbm>>
      %dma_start3A_139 = tpu.memref_squeeze %dma_start3A_138 : memref<1x50x32xi32, #tpu.memory_space<hbm>> -> memref<50x32xi32, #tpu.memory_space<hbm>>
      tpu.enqueue_dma source(%dma_start3A_139 : memref<50x32xi32, #tpu.memory_space<hbm>>) target(%arg9 : memref<50x32xi32, #tpu.memory_space<vmem>>) target_semaphore(%run_scoped3A : memref<!tpu.dma_semaphore, #tpu.memory_space<semaphore_mem>>)
      %dma_wait3A_140 = arith.constant 0 : i32
      %dma_wait3A_141 = arith.constant 0 : i32
      %dma_wait3A_142 = tpu.memref_slice %arg4[%add3A, %dma_wait3A_140, %dma_wait3A_141] : memref<32x50x32xi32, #tpu.memory_space<hbm>> -> memref<1x50x32xi32, #tpu.memory_space<hbm>>
      %dma_wait3A_143 = tpu.memref_squeeze %dma_wait3A_142 : memref<1x50x32xi32, #tpu.memory_space<hbm>> -> memref<50x32xi32, #tpu.memory_space<hbm>>
      %dma_wait3A_144 = arith.constant 0 : i32
      %dma_wait3A_145 = arith.constant 0 : i32
      %dma_wait3A_146 = tpu.memref_slice %arg4[%add3A, %dma_wait3A_144, %dma_wait3A_145] : memref<32x50x32xi32, #tpu.memory_space<hbm>> -> memref<1x50x32xi32, #tpu.memory_space<hbm>>
      %dma_wait3A_147 = tpu.memref_squeeze %dma_wait3A_146 : memref<1x50x32xi32, #tpu.memory_space<hbm>> -> memref<50x32xi32, #tpu.memory_space<hbm>>
      tpu.wait_dma2 semaphore(%run_scoped3A : memref<!tpu.dma_semaphore, #tpu.memory_space<semaphore_mem>>) src(%dma_wait3A_147 : memref<50x32xi32, #tpu.memory_space<hbm>>) dst(%arg9 : memref<50x32xi32, #tpu.memory_space<vmem>>)
      tpu.yield
    }) : () -> ()
    "tpu.region"() ({
      %run_scoped3A = tpu.sem_alloc : memref<!tpu.dma_semaphore, #tpu.memory_space<semaphore_mem>>
      tpu.enqueue_dma source(%arg5 : memref<1024xf32, #tpu.memory_space<hbm>>) target(%arg10 : memref<1024xf32, #tpu.memory_space<vmem>>) target_semaphore(%run_scoped3A : memref<!tpu.dma_semaphore, #tpu.memory_space<semaphore_mem>>)
      tpu.wait_dma2 semaphore(%run_scoped3A : memref<!tpu.dma_semaphore, #tpu.memory_space<semaphore_mem>>) src(%arg5 : memref<1024xf32, #tpu.memory_space<hbm>>) dst(%arg10 : memref<1024xf32, #tpu.memory_space<vmem>>)
      tpu.yield
    }) : () -> ()
    %dma_start3A = arith.constant 0 : i32
    %dma_start3A_3 = arith.constant 0 : i32
    %dma_start3A_4 = tpu.memref_slice %arg8[%dma_start3A, %dma_start3A_3] : memref<50x32xi32, #tpu.memory_space<vmem>> -> memref<1x32xi32, #tpu.memory_space<vmem>>
    %dma_start3A_5 = tpu.memref_squeeze %dma_start3A_4 : memref<1x32xi32, #tpu.memory_space<vmem>> -> memref<32xi32, #tpu.memory_space<vmem>>
    %dma_start3A_6 = arith.constant 0 : i32
    %dma_start3A_7 = arith.constant 0 : i32
    %dma_start3A_8 = tpu.memref_slice %arg2[%dma_start3A_6, %dma_start3A_7] : memref<1000x1024xf32, #tpu.memory_space<hbm>> -> memref<1000x1024xf32, #tpu.memory_space<hbm>>
    tpu.enqueue_indirect_dma source(%dma_start3A_8 : memref<1000x1024xf32, #tpu.memory_space<hbm>>) target(%arg11 : memref<32x1024xf32, #tpu.memory_space<vmem>>) offsets(%dma_start3A_5 : memref<32xi32, #tpu.memory_space<vmem>>) semaphore(%arg15 : memref<!tpu.dma_semaphore, #tpu.memory_space<semaphore_mem>>)
    %broadcast_in_dim3A = arith.constant 0.000000e+00 : f32
    %broadcast_in_dim3A_9 = vector.broadcast %broadcast_in_dim3A : f32 to vector<16xf32>
    %scan3A = arith.constant 0 : i32
    %scan3A_10 = arith.constant 16 : i32
    %scan3A_11 = arith.addi %scan3A, %scan3A_10 : i32
    %scan3A_12 = arith.constant 1 : i32
    %scan3A_13 = scf.for %scan3A_132 = %scan3A to %scan3A_11 step %scan3A_12 iter_args(%scan3A_133 = %broadcast_in_dim3A_9) -> (vector<16xf32>)  : i32 {
      %mul3A_134 = arith.constant 3 : i32
      %mul3A_135 = arith.muli %mul3A_134, %scan3A_132 : i32
      %add3A_136 = arith.constant 0 : i32
      %add3A_137 = arith.addi %mul3A_135, %add3A_136 : i32
      %add3A_138 = arith.constant 1 : i32
      %add3A_139 = arith.addi %add3A_137, %add3A_138 : i32
      %ge3A = arith.constant 3 : i32
      %ge3A_140 = arith.cmpi sge, %add3A_139, %ge3A : i32
      %convert_element_type3A = arith.extui %ge3A_140 : i1 to i32
      %cond3A = arith.constant 0 : i32
      %cond3A_141 = arith.cmpi ne, %convert_element_type3A, %cond3A : i32
      scf.if %cond3A_141 {
        %sub3A_305 = arith.constant 3 : i32
        %sub3A_306 = arith.subi %add3A_139, %sub3A_305 : i32
        %mul3A_307 = arith.constant 32 : i32
        %mul3A_308 = arith.muli %sub3A_306, %mul3A_307 : i32
        %add3A_309 = arith.addi %mul3A_2, %mul3A_308 : i32
        %dma_wait3A_310 = arith.constant 0 : i32
        %dma_wait3A_311 = tpu.memref_slice %arg6[%add3A_309, %dma_wait3A_310] : memref<51200x1024xf32, #tpu.memory_space<hbm>> -> memref<32x1024xf32, #tpu.memory_space<hbm>>
        %dma_wait3A_312 = arith.constant 0 : i32
        %dma_wait3A_313 = tpu.memref_slice %arg6[%add3A_309, %dma_wait3A_312] : memref<51200x1024xf32, #tpu.memory_space<hbm>> -> memref<32x1024xf32, #tpu.memory_space<hbm>>
        tpu.wait_dma2 semaphore(%arg19 : memref<!tpu.dma_semaphore, #tpu.memory_space<semaphore_mem>>) src(%arg12 : memref<32x1024xf32, #tpu.memory_space<vmem>>) dst(%dma_wait3A_313 : memref<32x1024xf32, #tpu.memory_space<hbm>>)
      } else {
      }
      %dma_start3A_142 = arith.constant 0 : i32
      %dma_start3A_143 = tpu.memref_slice %arg8[%add3A_139, %dma_start3A_142] : memref<50x32xi32, #tpu.memory_space<vmem>> -> memref<1x32xi32, #tpu.memory_space<vmem>>
      %dma_start3A_144 = tpu.memref_squeeze %dma_start3A_143 : memref<1x32xi32, #tpu.memory_space<vmem>> -> memref<32xi32, #tpu.memory_space<vmem>>
      %dma_start3A_145 = arith.constant 0 : i32
      %dma_start3A_146 = arith.constant 0 : i32
      %dma_start3A_147 = tpu.memref_slice %arg2[%dma_start3A_145, %dma_start3A_146] : memref<1000x1024xf32, #tpu.memory_space<hbm>> -> memref<1000x1024xf32, #tpu.memory_space<hbm>>
      tpu.enqueue_indirect_dma source(%dma_start3A_147 : memref<1000x1024xf32, #tpu.memory_space<hbm>>) target(%arg12 : memref<32x1024xf32, #tpu.memory_space<vmem>>) offsets(%dma_start3A_144 : memref<32xi32, #tpu.memory_space<vmem>>) semaphore(%arg16 : memref<!tpu.dma_semaphore, #tpu.memory_space<semaphore_mem>>)
      %dma_wait3A_148 = arith.constant 0 : i32
      %dma_wait3A_149 = tpu.memref_slice %arg8[%add3A_137, %dma_wait3A_148] : memref<50x32xi32, #tpu.memory_space<vmem>> -> memref<1x32xi32, #tpu.memory_space<vmem>>
      %dma_wait3A_150 = tpu.memref_squeeze %dma_wait3A_149 : memref<1x32xi32, #tpu.memory_space<vmem>> -> memref<32xi32, #tpu.memory_space<vmem>>
      %dma_wait3A_151 = arith.constant 0 : i32
      %dma_wait3A_152 = arith.constant 0 : i32
      %dma_wait3A_153 = tpu.memref_slice %arg2[%dma_wait3A_151, %dma_wait3A_152] : memref<1000x1024xf32, #tpu.memory_space<hbm>> -> memref<1000x1024xf32, #tpu.memory_space<hbm>>
      tpu.wait_indirect_dma semaphore(%arg15 : memref<!tpu.dma_semaphore, #tpu.memory_space<semaphore_mem>>) src(%dma_wait3A_153 : memref<1000x1024xf32, #tpu.memory_space<hbm>>) dst(%arg11 : memref<32x1024xf32, #tpu.memory_space<vmem>>)
      %mul3A_154 = arith.constant 32 : i32
      %mul3A_155 = arith.muli %add3A_137, %mul3A_154 : i32
      %add3A_156 = arith.addi %mul3A_2, %mul3A_155 : i32
      %dma_start3A_157 = arith.constant 0 : i32
      %dma_start3A_158 = tpu.memref_slice %arg6[%add3A_156, %dma_start3A_157] : memref<51200x1024xf32, #tpu.memory_space<hbm>> -> memref<32x1024xf32, #tpu.memory_space<hbm>>
      %dma_start3A_159 = arith.constant 0 : i32
      %dma_start3A_160 = tpu.memref_slice %arg6[%add3A_156, %dma_start3A_159] : memref<51200x1024xf32, #tpu.memory_space<hbm>> -> memref<32x1024xf32, #tpu.memory_space<hbm>>
      tpu.enqueue_dma source(%arg11 : memref<32x1024xf32, #tpu.memory_space<vmem>>) target(%dma_start3A_160 : memref<32x1024xf32, #tpu.memory_space<hbm>>) target_semaphore(%arg18 : memref<!tpu.dma_semaphore, #tpu.memory_space<semaphore_mem>>)
      %get3A_161 = arith.index_cast %add3A_137 : i32 to index
      %get3A_162 = arith.constant 0 : index
      %get3A_163 = tpu.vector_load %arg8[%get3A_161, %get3A_162] {strides = array<i32>} : memref<50x32xi32, #tpu.memory_space<vmem>>, vector<16xi32>,
      %get3A_164 = arith.index_cast %add3A_137 : i32 to index
      %get3A_165 = arith.constant 0 : index
      %get3A_166 = tpu.vector_load %arg9[%get3A_164, %get3A_165] {strides = array<i32>} : memref<50x32xi32, #tpu.memory_space<vmem>>, vector<16xi32>,
      %iota3A_167 = tpu.iota {dimensions = array<i32: 0>} : vector<16xi32>
      %add3A_168 = arith.constant 0 : i32
      %add3A_169 = vector.broadcast %add3A_168 : i32 to vector<16xi32>
      %add3A_170 = arith.addi %iota3A_167, %add3A_169 : vector<16xi32>
      %gather3A_171 = tpu.vector_load_idx %arg11[%add3A_170, %get3A_166] : memref<32x1024xf32, #tpu.memory_space<vmem>>[vector<16xi32>, vector<16xi32>], vector<16xf32>,
      %gather3A_172 = tpu.vector_load_idx %arg10[%get3A_163] : memref<1024xf32, #tpu.memory_space<vmem>>[vector<16xi32>], vector<16xf32>,
      %sub3A_173 = arith.subf %gather3A_172, %gather3A_171 : vector<16xf32>
      %add3A_174 = arith.addf %scan3A_133, %sub3A_173 : vector<16xf32>
      %get3A_175 = arith.index_cast %add3A_137 : i32 to index
      %get3A_176 = arith.constant 16 : index
      %get3A_177 = tpu.vector_load %arg8[%get3A_175, %get3A_176] {strides = array<i32>} : memref<50x32xi32, #tpu.memory_space<vmem>>, vector<16xi32>,
      %get3A_178 = arith.index_cast %add3A_137 : i32 to index
      %get3A_179 = arith.constant 16 : index
      %get3A_180 = tpu.vector_load %arg9[%get3A_178, %get3A_179] {strides = array<i32>} : memref<50x32xi32, #tpu.memory_space<vmem>>, vector<16xi32>,
      %iota3A_181 = tpu.iota {dimensions = array<i32: 0>} : vector<16xi32>
      %add3A_182 = arith.constant 16 : i32
      %add3A_183 = vector.broadcast %add3A_182 : i32 to vector<16xi32>
      %add3A_184 = arith.addi %iota3A_181, %add3A_183 : vector<16xi32>
      %gather3A_185 = tpu.vector_load_idx %arg11[%add3A_184, %get3A_180] : memref<32x1024xf32, #tpu.memory_space<vmem>>[vector<16xi32>, vector<16xi32>], vector<16xf32>,
      %gather3A_186 = tpu.vector_load_idx %arg10[%get3A_177] : memref<1024xf32, #tpu.memory_space<vmem>>[vector<16xi32>], vector<16xf32>,
      %sub3A_187 = arith.subf %gather3A_186, %gather3A_185 : vector<16xf32>
      %add3A_188 = arith.addf %add3A_174, %sub3A_187 : vector<16xf32>
      %mul3A_189 = arith.constant 3 : i32
      %mul3A_190 = arith.muli %mul3A_189, %scan3A_132 : i32
      %add3A_191 = arith.constant 1 : i32
      %add3A_192 = arith.addi %mul3A_190, %add3A_191 : i32
      %add3A_193 = arith.constant 1 : i32
      %add3A_194 = arith.addi %add3A_192, %add3A_193 : i32
      %ge3A_195 = arith.constant 3 : i32
      %ge3A_196 = arith.cmpi sge, %add3A_194, %ge3A_195 : i32
      %convert_element_type3A_197 = arith.extui %ge3A_196 : i1 to i32
      %cond3A_198 = arith.constant 0 : i32
      %cond3A_199 = arith.cmpi ne, %convert_element_type3A_197, %cond3A_198 : i32
      scf.if %cond3A_199 {
        %sub3A_305 = arith.constant 3 : i32
        %sub3A_306 = arith.subi %add3A_194, %sub3A_305 : i32
        %mul3A_307 = arith.constant 32 : i32
        %mul3A_308 = arith.muli %sub3A_306, %mul3A_307 : i32
        %add3A_309 = arith.addi %mul3A_2, %mul3A_308 : i32
        %dma_wait3A_310 = arith.constant 0 : i32
        %dma_wait3A_311 = tpu.memref_slice %arg6[%add3A_309, %dma_wait3A_310] : memref<51200x1024xf32, #tpu.memory_space<hbm>> -> memref<32x1024xf32, #tpu.memory_space<hbm>>
        %dma_wait3A_312 = arith.constant 0 : i32
        %dma_wait3A_313 = tpu.memref_slice %arg6[%add3A_309, %dma_wait3A_312] : memref<51200x1024xf32, #tpu.memory_space<hbm>> -> memref<32x1024xf32, #tpu.memory_space<hbm>>
        tpu.wait_dma2 semaphore(%arg20 : memref<!tpu.dma_semaphore, #tpu.memory_space<semaphore_mem>>) src(%arg13 : memref<32x1024xf32, #tpu.memory_space<vmem>>) dst(%dma_wait3A_313 : memref<32x1024xf32, #tpu.memory_space<hbm>>)
      } else {
      }
      %dma_start3A_200 = arith.constant 0 : i32
      %dma_start3A_201 = tpu.memref_slice %arg8[%add3A_194, %dma_start3A_200] : memref<50x32xi32, #tpu.memory_space<vmem>> -> memref<1x32xi32, #tpu.memory_space<vmem>>
      %dma_start3A_202 = tpu.memref_squeeze %dma_start3A_201 : memref<1x32xi32, #tpu.memory_space<vmem>> -> memref<32xi32, #tpu.memory_space<vmem>>
      %dma_start3A_203 = arith.constant 0 : i32
      %dma_start3A_204 = arith.constant 0 : i32
      %dma_start3A_205 = tpu.memref_slice %arg2[%dma_start3A_203, %dma_start3A_204] : memref<1000x1024xf32, #tpu.memory_space<hbm>> -> memref<1000x1024xf32, #tpu.memory_space<hbm>>
      tpu.enqueue_indirect_dma source(%dma_start3A_205 : memref<1000x1024xf32, #tpu.memory_space<hbm>>) target(%arg13 : memref<32x1024xf32, #tpu.memory_space<vmem>>) offsets(%dma_start3A_202 : memref<32xi32, #tpu.memory_space<vmem>>) semaphore(%arg17 : memref<!tpu.dma_semaphore, #tpu.memory_space<semaphore_mem>>)
      %dma_wait3A_206 = arith.constant 0 : i32
      %dma_wait3A_207 = tpu.memref_slice %arg8[%add3A_192, %dma_wait3A_206] : memref<50x32xi32, #tpu.memory_space<vmem>> -> memref<1x32xi32, #tpu.memory_space<vmem>>
      %dma_wait3A_208 = tpu.memref_squeeze %dma_wait3A_207 : memref<1x32xi32, #tpu.memory_space<vmem>> -> memref<32xi32, #tpu.memory_space<vmem>>
      %dma_wait3A_209 = arith.constant 0 : i32
      %dma_wait3A_210 = arith.constant 0 : i32
      %dma_wait3A_211 = tpu.memref_slice %arg2[%dma_wait3A_209, %dma_wait3A_210] : memref<1000x1024xf32, #tpu.memory_space<hbm>> -> memref<1000x1024xf32, #tpu.memory_space<hbm>>
      tpu.wait_indirect_dma semaphore(%arg16 : memref<!tpu.dma_semaphore, #tpu.memory_space<semaphore_mem>>) src(%dma_wait3A_211 : memref<1000x1024xf32, #tpu.memory_space<hbm>>) dst(%arg12 : memref<32x1024xf32, #tpu.memory_space<vmem>>)
      %mul3A_212 = arith.constant 32 : i32
      %mul3A_213 = arith.muli %add3A_192, %mul3A_212 : i32
      %add3A_214 = arith.addi %mul3A_2, %mul3A_213 : i32
      %dma_start3A_215 = arith.constant 0 : i32
      %dma_start3A_216 = tpu.memref_slice %arg6[%add3A_214, %dma_start3A_215] : memref<51200x1024xf32, #tpu.memory_space<hbm>> -> memref<32x1024xf32, #tpu.memory_space<hbm>>
      %dma_start3A_217 = arith.constant 0 : i32
      %dma_start3A_218 = tpu.memref_slice %arg6[%add3A_214, %dma_start3A_217] : memref<51200x1024xf32, #tpu.memory_space<hbm>> -> memref<32x1024xf32, #tpu.memory_space<hbm>>
      tpu.enqueue_dma source(%arg12 : memref<32x1024xf32, #tpu.memory_space<vmem>>) target(%dma_start3A_218 : memref<32x1024xf32, #tpu.memory_space<hbm>>) target_semaphore(%arg19 : memref<!tpu.dma_semaphore, #tpu.memory_space<semaphore_mem>>)
      %get3A_219 = arith.index_cast %add3A_192 : i32 to index
      %get3A_220 = arith.constant 0 : index
      %get3A_221 = tpu.vector_load %arg8[%get3A_219, %get3A_220] {strides = array<i32>} : memref<50x32xi32, #tpu.memory_space<vmem>>, vector<16xi32>,
      %get3A_222 = arith.index_cast %add3A_192 : i32 to index
      %get3A_223 = arith.constant 0 : index
      %get3A_224 = tpu.vector_load %arg9[%get3A_222, %get3A_223] {strides = array<i32>} : memref<50x32xi32, #tpu.memory_space<vmem>>, vector<16xi32>,
      %iota3A_225 = tpu.iota {dimensions = array<i32: 0>} : vector<16xi32>
      %add3A_226 = arith.constant 0 : i32
      %add3A_227 = vector.broadcast %add3A_226 : i32 to vector<16xi32>
      %add3A_228 = arith.addi %iota3A_225, %add3A_227 : vector<16xi32>
      %gather3A_229 = tpu.vector_load_idx %arg12[%add3A_228, %get3A_224] : memref<32x1024xf32, #tpu.memory_space<vmem>>[vector<16xi32>, vector<16xi32>], vector<16xf32>,
      %gather3A_230 = tpu.vector_load_idx %arg10[%get3A_221] : memref<1024xf32, #tpu.memory_space<vmem>>[vector<16xi32>], vector<16xf32>,
      %sub3A_231 = arith.subf %gather3A_230, %gather3A_229 : vector<16xf32>
      %add3A_232 = arith.addf %add3A_188, %sub3A_231 : vector<16xf32>
      %get3A_233 = arith.index_cast %add3A_192 : i32 to index
      %get3A_234 = arith.constant 16 : index
      %get3A_235 = tpu.vector_load %arg8[%get3A_233, %get3A_234] {strides = array<i32>} : memref<50x32xi32, #tpu.memory_space<vmem>>, vector<16xi32>,
      %get3A_236 = arith.index_cast %add3A_192 : i32 to index
      %get3A_237 = arith.constant 16 : index
      %get3A_238 = tpu.vector_load %arg9[%get3A_236, %get3A_237] {strides = array<i32>} : memref<50x32xi32, #tpu.memory_space<vmem>>, vector<16xi32>,
      %iota3A_239 = tpu.iota {dimensions = array<i32: 0>} : vector<16xi32>
      %add3A_240 = arith.constant 16 : i32
      %add3A_241 = vector.broadcast %add3A_240 : i32 to vector<16xi32>
      %add3A_242 = arith.addi %iota3A_239, %add3A_241 : vector<16xi32>
      %gather3A_243 = tpu.vector_load_idx %arg12[%add3A_242, %get3A_238] : memref<32x1024xf32, #tpu.memory_space<vmem>>[vector<16xi32>, vector<16xi32>], vector<16xf32>,
      %gather3A_244 = tpu.vector_load_idx %arg10[%get3A_235] : memref<1024xf32, #tpu.memory_space<vmem>>[vector<16xi32>], vector<16xf32>,
      %sub3A_245 = arith.subf %gather3A_244, %gather3A_243 : vector<16xf32>
      %add3A_246 = arith.addf %add3A_232, %sub3A_245 : vector<16xf32>
      %mul3A_247 = arith.constant 3 : i32
      %mul3A_248 = arith.muli %mul3A_247, %scan3A_132 : i32
      %add3A_249 = arith.constant 2 : i32
      %add3A_250 = arith.addi %mul3A_248, %add3A_249 : i32
      %add3A_251 = arith.constant 1 : i32
      %add3A_252 = arith.addi %add3A_250, %add3A_251 : i32
      %ge3A_253 = arith.constant 3 : i32
      %ge3A_254 = arith.cmpi sge, %add3A_252, %ge3A_253 : i32
      %convert_element_type3A_255 = arith.extui %ge3A_254 : i1 to i32
      %cond3A_256 = arith.constant 0 : i32
      %cond3A_257 = arith.cmpi ne, %convert_element_type3A_255, %cond3A_256 : i32
      scf.if %cond3A_257 {
        %sub3A_305 = arith.constant 3 : i32
        %sub3A_306 = arith.subi %add3A_252, %sub3A_305 : i32
        %mul3A_307 = arith.constant 32 : i32
        %mul3A_308 = arith.muli %sub3A_306, %mul3A_307 : i32
        %add3A_309 = arith.addi %mul3A_2, %mul3A_308 : i32
        %dma_wait3A_310 = arith.constant 0 : i32
        %dma_wait3A_311 = tpu.memref_slice %arg6[%add3A_309, %dma_wait3A_310] : memref<51200x1024xf32, #tpu.memory_space<hbm>> -> memref<32x1024xf32, #tpu.memory_space<hbm>>
        %dma_wait3A_312 = arith.constant 0 : i32
        %dma_wait3A_313 = tpu.memref_slice %arg6[%add3A_309, %dma_wait3A_312] : memref<51200x1024xf32, #tpu.memory_space<hbm>> -> memref<32x1024xf32, #tpu.memory_space<hbm>>
        tpu.wait_dma2 semaphore(%arg18 : memref<!tpu.dma_semaphore, #tpu.memory_space<semaphore_mem>>) src(%arg11 : memref<32x1024xf32, #tpu.memory_space<vmem>>) dst(%dma_wait3A_313 : memref<32x1024xf32, #tpu.memory_space<hbm>>)
      } else {
      }
      %dma_start3A_258 = arith.constant 0 : i32
      %dma_start3A_259 = tpu.memref_slice %arg8[%add3A_252, %dma_start3A_258] : memref<50x32xi32, #tpu.memory_space<vmem>> -> memref<1x32xi32, #tpu.memory_space<vmem>>
      %dma_start3A_260 = tpu.memref_squeeze %dma_start3A_259 : memref<1x32xi32, #tpu.memory_space<vmem>> -> memref<32xi32, #tpu.memory_space<vmem>>
      %dma_start3A_261 = arith.constant 0 : i32
      %dma_start3A_262 = arith.constant 0 : i32
      %dma_start3A_263 = tpu.memref_slice %arg2[%dma_start3A_261, %dma_start3A_262] : memref<1000x1024xf32, #tpu.memory_space<hbm>> -> memref<1000x1024xf32, #tpu.memory_space<hbm>>
      tpu.enqueue_indirect_dma source(%dma_start3A_263 : memref<1000x1024xf32, #tpu.memory_space<hbm>>) target(%arg11 : memref<32x1024xf32, #tpu.memory_space<vmem>>) offsets(%dma_start3A_260 : memref<32xi32, #tpu.memory_space<vmem>>) semaphore(%arg15 : memref<!tpu.dma_semaphore, #tpu.memory_space<semaphore_mem>>)
      %dma_wait3A_264 = arith.constant 0 : i32
      %dma_wait3A_265 = tpu.memref_slice %arg8[%add3A_250, %dma_wait3A_264] : memref<50x32xi32, #tpu.memory_space<vmem>> -> memref<1x32xi32, #tpu.memory_space<vmem>>
      %dma_wait3A_266 = tpu.memref_squeeze %dma_wait3A_265 : memref<1x32xi32, #tpu.memory_space<vmem>> -> memref<32xi32, #tpu.memory_space<vmem>>
      %dma_wait3A_267 = arith.constant 0 : i32
      %dma_wait3A_268 = arith.constant 0 : i32
      %dma_wait3A_269 = tpu.memref_slice %arg2[%dma_wait3A_267, %dma_wait3A_268] : memref<1000x1024xf32, #tpu.memory_space<hbm>> -> memref<1000x1024xf32, #tpu.memory_space<hbm>>
      tpu.wait_indirect_dma semaphore(%arg17 : memref<!tpu.dma_semaphore, #tpu.memory_space<semaphore_mem>>) src(%dma_wait3A_269 : memref<1000x1024xf32, #tpu.memory_space<hbm>>) dst(%arg13 : memref<32x1024xf32, #tpu.memory_space<vmem>>)
      %mul3A_270 = arith.constant 32 : i32
      %mul3A_271 = arith.muli %add3A_250, %mul3A_270 : i32
      %add3A_272 = arith.addi %mul3A_2, %mul3A_271 : i32
      %dma_start3A_273 = arith.constant 0 : i32
      %dma_start3A_274 = tpu.memref_slice %arg6[%add3A_272, %dma_start3A_273] : memref<51200x1024xf32, #tpu.memory_space<hbm>> -> memref<32x1024xf32, #tpu.memory_space<hbm>>
      %dma_start3A_275 = arith.constant 0 : i32
      %dma_start3A_276 = tpu.memref_slice %arg6[%add3A_272, %dma_start3A_275] : memref<51200x1024xf32, #tpu.memory_space<hbm>> -> memref<32x1024xf32, #tpu.memory_space<hbm>>
      tpu.enqueue_dma source(%arg13 : memref<32x1024xf32, #tpu.memory_space<vmem>>) target(%dma_start3A_276 : memref<32x1024xf32, #tpu.memory_space<hbm>>) target_semaphore(%arg20 : memref<!tpu.dma_semaphore, #tpu.memory_space<semaphore_mem>>)
      %get3A_277 = arith.index_cast %add3A_250 : i32 to index
      %get3A_278 = arith.constant 0 : index
      %get3A_279 = tpu.vector_load %arg8[%get3A_277, %get3A_278] {strides = array<i32>} : memref<50x32xi32, #tpu.memory_space<vmem>>, vector<16xi32>,
      %get3A_280 = arith.index_cast %add3A_250 : i32 to index
      %get3A_281 = arith.constant 0 : index
      %get3A_282 = tpu.vector_load %arg9[%get3A_280, %get3A_281] {strides = array<i32>} : memref<50x32xi32, #tpu.memory_space<vmem>>, vector<16xi32>,
      %iota3A_283 = tpu.iota {dimensions = array<i32: 0>} : vector<16xi32>
      %add3A_284 = arith.constant 0 : i32
      %add3A_285 = vector.broadcast %add3A_284 : i32 to vector<16xi32>
      %add3A_286 = arith.addi %iota3A_283, %add3A_285 : vector<16xi32>
      %gather3A_287 = tpu.vector_load_idx %arg13[%add3A_286, %get3A_282] : memref<32x1024xf32, #tpu.memory_space<vmem>>[vector<16xi32>, vector<16xi32>], vector<16xf32>,
      %gather3A_288 = tpu.vector_load_idx %arg10[%get3A_279] : memref<1024xf32, #tpu.memory_space<vmem>>[vector<16xi32>], vector<16xf32>,
      %sub3A_289 = arith.subf %gather3A_288, %gather3A_287 : vector<16xf32>
      %add3A_290 = arith.addf %add3A_246, %sub3A_289 : vector<16xf32>
      %get3A_291 = arith.index_cast %add3A_250 : i32 to index
      %get3A_292 = arith.constant 16 : index
      %get3A_293 = tpu.vector_load %arg8[%get3A_291, %get3A_292] {strides = array<i32>} : memref<50x32xi32, #tpu.memory_space<vmem>>, vector<16xi32>,
      %get3A_294 = arith.index_cast %add3A_250 : i32 to index
      %get3A_295 = arith.constant 16 : index
      %get3A_296 = tpu.vector_load %arg9[%get3A_294, %get3A_295] {strides = array<i32>} : memref<50x32xi32, #tpu.memory_space<vmem>>, vector<16xi32>,
      %iota3A_297 = tpu.iota {dimensions = array<i32: 0>} : vector<16xi32>
      %add3A_298 = arith.constant 16 : i32
      %add3A_299 = vector.broadcast %add3A_298 : i32 to vector<16xi32>
      %add3A_300 = arith.addi %iota3A_297, %add3A_299 : vector<16xi32>
      %gather3A_301 = tpu.vector_load_idx %arg13[%add3A_300, %get3A_296] : memref<32x1024xf32, #tpu.memory_space<vmem>>[vector<16xi32>, vector<16xi32>], vector<16xf32>,
      %gather3A_302 = tpu.vector_load_idx %arg10[%get3A_293] : memref<1024xf32, #tpu.memory_space<vmem>>[vector<16xi32>], vector<16xf32>,
      %sub3A_303 = arith.subf %gather3A_302, %gather3A_301 : vector<16xf32>
      %add3A_304 = arith.addf %add3A_290, %sub3A_303 : vector<16xf32>
      scf.yield %add3A_304 : vector<16xf32>
    }
    %scan3A_14 = arith.constant 16 : i32
    %add3A_15 = arith.constant 1472 : i32
    %add3A_16 = arith.addi %mul3A_2, %add3A_15 : i32
    %dma_wait3A = arith.constant 0 : i32
    %dma_wait3A_17 = tpu.memref_slice %arg6[%add3A_16, %dma_wait3A] : memref<51200x1024xf32, #tpu.memory_space<hbm>> -> memref<32x1024xf32, #tpu.memory_space<hbm>>
    %dma_wait3A_18 = arith.constant 0 : i32
    %dma_wait3A_19 = tpu.memref_slice %arg6[%add3A_16, %dma_wait3A_18] : memref<51200x1024xf32, #tpu.memory_space<hbm>> -> memref<32x1024xf32, #tpu.memory_space<hbm>>
    tpu.wait_dma2 semaphore(%arg19 : memref<!tpu.dma_semaphore, #tpu.memory_space<semaphore_mem>>) src(%arg12 : memref<32x1024xf32, #tpu.memory_space<vmem>>) dst(%dma_wait3A_19 : memref<32x1024xf32, #tpu.memory_space<hbm>>)
    %dma_start3A_20 = arith.constant 49 : i32
    %dma_start3A_21 = arith.constant 0 : i32
    %dma_start3A_22 = tpu.memref_slice %arg8[%dma_start3A_20, %dma_start3A_21] : memref<50x32xi32, #tpu.memory_space<vmem>> -> memref<1x32xi32, #tpu.memory_space<vmem>>
    %dma_start3A_23 = tpu.memref_squeeze %dma_start3A_22 : memref<1x32xi32, #tpu.memory_space<vmem>> -> memref<32xi32, #tpu.memory_space<vmem>>
    %dma_start3A_24 = arith.constant 0 : i32
    %dma_start3A_25 = arith.constant 0 : i32
    %dma_start3A_26 = tpu.memref_slice %arg2[%dma_start3A_24, %dma_start3A_25] : memref<1000x1024xf32, #tpu.memory_space<hbm>> -> memref<1000x1024xf32, #tpu.memory_space<hbm>>
    tpu.enqueue_indirect_dma source(%dma_start3A_26 : memref<1000x1024xf32, #tpu.memory_space<hbm>>) target(%arg12 : memref<32x1024xf32, #tpu.memory_space<vmem>>) offsets(%dma_start3A_23 : memref<32xi32, #tpu.memory_space<vmem>>) semaphore(%arg16 : memref<!tpu.dma_semaphore, #tpu.memory_space<semaphore_mem>>)
    %dma_wait3A_27 = arith.constant 48 : i32
    %dma_wait3A_28 = arith.constant 0 : i32
    %dma_wait3A_29 = tpu.memref_slice %arg8[%dma_wait3A_27, %dma_wait3A_28] : memref<50x32xi32, #tpu.memory_space<vmem>> -> memref<1x32xi32, #tpu.memory_space<vmem>>
    %dma_wait3A_30 = tpu.memref_squeeze %dma_wait3A_29 : memref<1x32xi32, #tpu.memory_space<vmem>> -> memref<32xi32, #tpu.memory_space<vmem>>
    %dma_wait3A_31 = arith.constant 0 : i32
    %dma_wait3A_32 = arith.constant 0 : i32
    %dma_wait3A_33 = tpu.memref_slice %arg2[%dma_wait3A_31, %dma_wait3A_32] : memref<1000x1024xf32, #tpu.memory_space<hbm>> -> memref<1000x1024xf32, #tpu.memory_space<hbm>>
    tpu.wait_indirect_dma semaphore(%arg15 : memref<!tpu.dma_semaphore, #tpu.memory_space<semaphore_mem>>) src(%dma_wait3A_33 : memref<1000x1024xf32, #tpu.memory_space<hbm>>) dst(%arg11 : memref<32x1024xf32, #tpu.memory_space<vmem>>)
    %add3A_34 = arith.constant 1536 : i32
    %add3A_35 = arith.addi %mul3A_2, %add3A_34 : i32
    %dma_start3A_36 = arith.constant 0 : i32
    %dma_start3A_37 = tpu.memref_slice %arg6[%add3A_35, %dma_start3A_36] : memref<51200x1024xf32, #tpu.memory_space<hbm>> -> memref<32x1024xf32, #tpu.memory_space<hbm>>
    %dma_start3A_38 = arith.constant 0 : i32
    %dma_start3A_39 = tpu.memref_slice %arg6[%add3A_35, %dma_start3A_38] : memref<51200x1024xf32, #tpu.memory_space<hbm>> -> memref<32x1024xf32, #tpu.memory_space<hbm>>
    tpu.enqueue_dma source(%arg11 : memref<32x1024xf32, #tpu.memory_space<vmem>>) target(%dma_start3A_39 : memref<32x1024xf32, #tpu.memory_space<hbm>>) target_semaphore(%arg18 : memref<!tpu.dma_semaphore, #tpu.memory_space<semaphore_mem>>)
    %get3A = arith.constant 48 : i32
    %get3A_40 = arith.index_cast %get3A : i32 to index
    %get3A_41 = arith.constant 0 : index
    %get3A_42 = tpu.vector_load %arg8[%get3A_40, %get3A_41] {strides = array<i32>} : memref<50x32xi32, #tpu.memory_space<vmem>>, vector<16xi32>,
    %get3A_43 = arith.constant 48 : i32
    %get3A_44 = arith.index_cast %get3A_43 : i32 to index
    %get3A_45 = arith.constant 0 : index
    %get3A_46 = tpu.vector_load %arg9[%get3A_44, %get3A_45] {strides = array<i32>} : memref<50x32xi32, #tpu.memory_space<vmem>>, vector<16xi32>,
    %iota3A = tpu.iota {dimensions = array<i32: 0>} : vector<16xi32>
    %add3A_47 = arith.constant 0 : i32
    %add3A_48 = vector.broadcast %add3A_47 : i32 to vector<16xi32>
    %add3A_49 = arith.addi %iota3A, %add3A_48 : vector<16xi32>
    %gather3A = tpu.vector_load_idx %arg11[%add3A_49, %get3A_46] : memref<32x1024xf32, #tpu.memory_space<vmem>>[vector<16xi32>, vector<16xi32>], vector<16xf32>,
    %gather3A_50 = tpu.vector_load_idx %arg10[%get3A_42] : memref<1024xf32, #tpu.memory_space<vmem>>[vector<16xi32>], vector<16xf32>,
    %sub3A = arith.subf %gather3A_50, %gather3A : vector<16xf32>
    %add3A_51 = arith.addf %scan3A_13, %sub3A : vector<16xf32>
    %get3A_52 = arith.constant 48 : i32
    %get3A_53 = arith.index_cast %get3A_52 : i32 to index
    %get3A_54 = arith.constant 16 : index
    %get3A_55 = tpu.vector_load %arg8[%get3A_53, %get3A_54] {strides = array<i32>} : memref<50x32xi32, #tpu.memory_space<vmem>>, vector<16xi32>,
    %get3A_56 = arith.constant 48 : i32
    %get3A_57 = arith.index_cast %get3A_56 : i32 to index
    %get3A_58 = arith.constant 16 : index
    %get3A_59 = tpu.vector_load %arg9[%get3A_57, %get3A_58] {strides = array<i32>} : memref<50x32xi32, #tpu.memory_space<vmem>>, vector<16xi32>,
    %iota3A_60 = tpu.iota {dimensions = array<i32: 0>} : vector<16xi32>
    %add3A_61 = arith.constant 16 : i32
    %add3A_62 = vector.broadcast %add3A_61 : i32 to vector<16xi32>
    %add3A_63 = arith.addi %iota3A_60, %add3A_62 : vector<16xi32>
    %gather3A_64 = tpu.vector_load_idx %arg11[%add3A_63, %get3A_59] : memref<32x1024xf32, #tpu.memory_space<vmem>>[vector<16xi32>, vector<16xi32>], vector<16xf32>,
    %gather3A_65 = tpu.vector_load_idx %arg10[%get3A_55] : memref<1024xf32, #tpu.memory_space<vmem>>[vector<16xi32>], vector<16xf32>,
    %sub3A_66 = arith.subf %gather3A_65, %gather3A_64 : vector<16xf32>
    %add3A_67 = arith.addf %add3A_51, %sub3A_66 : vector<16xf32>
    %dma_wait3A_68 = arith.constant 49 : i32
    %dma_wait3A_69 = arith.constant 0 : i32
    %dma_wait3A_70 = tpu.memref_slice %arg8[%dma_wait3A_68, %dma_wait3A_69] : memref<50x32xi32, #tpu.memory_space<vmem>> -> memref<1x32xi32, #tpu.memory_space<vmem>>
    %dma_wait3A_71 = tpu.memref_squeeze %dma_wait3A_70 : memref<1x32xi32, #tpu.memory_space<vmem>> -> memref<32xi32, #tpu.memory_space<vmem>>
    %dma_wait3A_72 = arith.constant 0 : i32
    %dma_wait3A_73 = arith.constant 0 : i32
    %dma_wait3A_74 = tpu.memref_slice %arg2[%dma_wait3A_72, %dma_wait3A_73] : memref<1000x1024xf32, #tpu.memory_space<hbm>> -> memref<1000x1024xf32, #tpu.memory_space<hbm>>
    tpu.wait_indirect_dma semaphore(%arg16 : memref<!tpu.dma_semaphore, #tpu.memory_space<semaphore_mem>>) src(%dma_wait3A_74 : memref<1000x1024xf32, #tpu.memory_space<hbm>>) dst(%arg12 : memref<32x1024xf32, #tpu.memory_space<vmem>>)
    %add3A_75 = arith.constant 1568 : i32
    %add3A_76 = arith.addi %mul3A_2, %add3A_75 : i32
    %dma_start3A_77 = arith.constant 0 : i32
    %dma_start3A_78 = tpu.memref_slice %arg6[%add3A_76, %dma_start3A_77] : memref<51200x1024xf32, #tpu.memory_space<hbm>> -> memref<32x1024xf32, #tpu.memory_space<hbm>>
    %dma_start3A_79 = arith.constant 0 : i32
    %dma_start3A_80 = tpu.memref_slice %arg6[%add3A_76, %dma_start3A_79] : memref<51200x1024xf32, #tpu.memory_space<hbm>> -> memref<32x1024xf32, #tpu.memory_space<hbm>>
    tpu.enqueue_dma source(%arg12 : memref<32x1024xf32, #tpu.memory_space<vmem>>) target(%dma_start3A_80 : memref<32x1024xf32, #tpu.memory_space<hbm>>) target_semaphore(%arg19 : memref<!tpu.dma_semaphore, #tpu.memory_space<semaphore_mem>>)
    %get3A_81 = arith.constant 49 : i32
    %get3A_82 = arith.index_cast %get3A_81 : i32 to index
    %get3A_83 = arith.constant 0 : index
    %get3A_84 = tpu.vector_load %arg8[%get3A_82, %get3A_83] {strides = array<i32>} : memref<50x32xi32, #tpu.memory_space<vmem>>, vector<16xi32>,
    %get3A_85 = arith.constant 49 : i32
    %get3A_86 = arith.index_cast %get3A_85 : i32 to index
    %get3A_87 = arith.constant 0 : index
    %get3A_88 = tpu.vector_load %arg9[%get3A_86, %get3A_87] {strides = array<i32>} : memref<50x32xi32, #tpu.memory_space<vmem>>, vector<16xi32>,
    %iota3A_89 = tpu.iota {dimensions = array<i32: 0>} : vector<16xi32>
    %add3A_90 = arith.constant 0 : i32
    %add3A_91 = vector.broadcast %add3A_90 : i32 to vector<16xi32>
    %add3A_92 = arith.addi %iota3A_89, %add3A_91 : vector<16xi32>
    %gather3A_93 = tpu.vector_load_idx %arg12[%add3A_92, %get3A_88] : memref<32x1024xf32, #tpu.memory_space<vmem>>[vector<16xi32>, vector<16xi32>], vector<16xf32>,
    %gather3A_94 = tpu.vector_load_idx %arg10[%get3A_84] : memref<1024xf32, #tpu.memory_space<vmem>>[vector<16xi32>], vector<16xf32>,
    %sub3A_95 = arith.subf %gather3A_94, %gather3A_93 : vector<16xf32>
    %add3A_96 = arith.addf %add3A_67, %sub3A_95 : vector<16xf32>
    %get3A_97 = arith.constant 49 : i32
    %get3A_98 = arith.index_cast %get3A_97 : i32 to index
    %get3A_99 = arith.constant 16 : index
    %get3A_100 = tpu.vector_load %arg8[%get3A_98, %get3A_99] {strides = array<i32>} : memref<50x32xi32, #tpu.memory_space<vmem>>, vector<16xi32>,
    %get3A_101 = arith.constant 49 : i32
    %get3A_102 = arith.index_cast %get3A_101 : i32 to index
    %get3A_103 = arith.constant 16 : index
    %get3A_104 = tpu.vector_load %arg9[%get3A_102, %get3A_103] {strides = array<i32>} : memref<50x32xi32, #tpu.memory_space<vmem>>, vector<16xi32>,
    %iota3A_105 = tpu.iota {dimensions = array<i32: 0>} : vector<16xi32>
    %add3A_106 = arith.constant 16 : i32
    %add3A_107 = vector.broadcast %add3A_106 : i32 to vector<16xi32>
    %add3A_108 = arith.addi %iota3A_105, %add3A_107 : vector<16xi32>
    %gather3A_109 = tpu.vector_load_idx %arg12[%add3A_108, %get3A_104] : memref<32x1024xf32, #tpu.memory_space<vmem>>[vector<16xi32>, vector<16xi32>], vector<16xf32>,
    %gather3A_110 = tpu.vector_load_idx %arg10[%get3A_100] : memref<1024xf32, #tpu.memory_space<vmem>>[vector<16xi32>], vector<16xf32>,
    %sub3A_111 = arith.subf %gather3A_110, %gather3A_109 : vector<16xf32>
    %add3A_112 = arith.addf %add3A_96, %sub3A_111 : vector<16xf32>
    %add3A_113 = arith.constant 1504 : i32
    %add3A_114 = arith.addi %mul3A_2, %add3A_113 : i32
    %dma_wait3A_115 = arith.constant 0 : i32
    %dma_wait3A_116 = tpu.memref_slice %arg6[%add3A_114, %dma_wait3A_115] : memref<51200x1024xf32, #tpu.memory_space<hbm>> -> memref<32x1024xf32, #tpu.memory_space<hbm>>
    %dma_wait3A_117 = arith.constant 0 : i32
    %dma_wait3A_118 = tpu.memref_slice %arg6[%add3A_114, %dma_wait3A_117] : memref<51200x1024xf32, #tpu.memory_space<hbm>> -> memref<32x1024xf32, #tpu.memory_space<hbm>>
    tpu.wait_dma2 semaphore(%arg20 : memref<!tpu.dma_semaphore, #tpu.memory_space<semaphore_mem>>) src(%arg13 : memref<32x1024xf32, #tpu.memory_space<vmem>>) dst(%dma_wait3A_118 : memref<32x1024xf32, #tpu.memory_space<hbm>>)
    %add3A_119 = arith.constant 1536 : i32
    %add3A_120 = arith.addi %mul3A_2, %add3A_119 : i32
    %dma_wait3A_121 = arith.constant 0 : i32
    %dma_wait3A_122 = tpu.memref_slice %arg6[%add3A_120, %dma_wait3A_121] : memref<51200x1024xf32, #tpu.memory_space<hbm>> -> memref<32x1024xf32, #tpu.memory_space<hbm>>
    %dma_wait3A_123 = arith.constant 0 : i32
    %dma_wait3A_124 = tpu.memref_slice %arg6[%add3A_120, %dma_wait3A_123] : memref<51200x1024xf32, #tpu.memory_space<hbm>> -> memref<32x1024xf32, #tpu.memory_space<hbm>>
    tpu.wait_dma2 semaphore(%arg18 : memref<!tpu.dma_semaphore, #tpu.memory_space<semaphore_mem>>) src(%arg11 : memref<32x1024xf32, #tpu.memory_space<vmem>>) dst(%dma_wait3A_124 : memref<32x1024xf32, #tpu.memory_space<hbm>>)
    %add3A_125 = arith.constant 1568 : i32
    %add3A_126 = arith.addi %mul3A_2, %add3A_125 : i32
    %dma_wait3A_127 = arith.constant 0 : i32
    %dma_wait3A_128 = tpu.memref_slice %arg6[%add3A_126, %dma_wait3A_127] : memref<51200x1024xf32, #tpu.memory_space<hbm>> -> memref<32x1024xf32, #tpu.memory_space<hbm>>
    %dma_wait3A_129 = arith.constant 0 : i32
    %dma_wait3A_130 = tpu.memref_slice %arg6[%add3A_126, %dma_wait3A_129] : memref<51200x1024xf32, #tpu.memory_space<hbm>> -> memref<32x1024xf32, #tpu.memory_space<hbm>>
    tpu.wait_dma2 semaphore(%arg19 : memref<!tpu.dma_semaphore, #tpu.memory_space<semaphore_mem>>) src(%arg12 : memref<32x1024xf32, #tpu.memory_space<vmem>>) dst(%dma_wait3A_130 : memref<32x1024xf32, #tpu.memory_space<hbm>>)
    %swap3A = arith.constant 0 : index
    %swap3A_131 = tpu.vector_load %arg14[%swap3A] {strides = array<i32>} : memref<16xf32, #tpu.memory_space<vmem>>, vector<16xf32>,
    tpu.vector_store %arg14[%swap3A], %add3A_112 {strides = array<i32>} : memref<16xf32, #tpu.memory_space<vmem>>, vector<16xf32>,
    "tpu.region"() ({
      %run_scoped3A = tpu.sem_alloc : memref<!tpu.dma_semaphore, #tpu.memory_space<semaphore_mem>>
      %dma_start3A_132 = arith.constant 0 : i32
      %dma_start3A_133 = tpu.memref_slice %arg7[%add3A, %dma_start3A_132] : memref<32x16xf32, #tpu.memory_space<hbm>> -> memref<1x16xf32, #tpu.memory_space<hbm>>
      %dma_start3A_134 = tpu.memref_squeeze %dma_start3A_133 : memref<1x16xf32, #tpu.memory_space<hbm>> -> memref<16xf32, #tpu.memory_space<hbm>>
      %dma_start3A_135 = arith.constant 0 : i32
      %dma_start3A_136 = tpu.memref_slice %arg7[%add3A, %dma_start3A_135] : memref<32x16xf32, #tpu.memory_space<hbm>> -> memref<1x16xf32, #tpu.memory_space<hbm>>
      %dma_start3A_137 = tpu.memref_squeeze %dma_start3A_136 : memref<1x16xf32, #tpu.memory_space<hbm>> -> memref<16xf32, #tpu.memory_space<hbm>>
      tpu.enqueue_dma source(%arg14 : memref<16xf32, #tpu.memory_space<vmem>>) target(%dma_start3A_137 : memref<16xf32, #tpu.memory_space<hbm>>) target_semaphore(%run_scoped3A : memref<!tpu.dma_semaphore, #tpu.memory_space<semaphore_mem>>)
      %dma_wait3A_138 = arith.constant 0 : i32
      %dma_wait3A_139 = tpu.memref_slice %arg7[%add3A, %dma_wait3A_138] : memref<32x16xf32, #tpu.memory_space<hbm>> -> memref<1x16xf32, #tpu.memory_space<hbm>>
      %dma_wait3A_140 = tpu.memref_squeeze %dma_wait3A_139 : memref<1x16xf32, #tpu.memory_space<hbm>> -> memref<16xf32, #tpu.memory_space<hbm>>
      %dma_wait3A_141 = arith.constant 0 : i32
      %dma_wait3A_142 = tpu.memref_slice %arg7[%add3A, %dma_wait3A_141] : memref<32x16xf32, #tpu.memory_space<hbm>> -> memref<1x16xf32, #tpu.memory_space<hbm>>
      %dma_wait3A_143 = tpu.memref_squeeze %dma_wait3A_142 : memref<1x16xf32, #tpu.memory_space<hbm>> -> memref<16xf32, #tpu.memory_space<hbm>>
      tpu.wait_dma2 semaphore(%run_scoped3A : memref<!tpu.dma_semaphore, #tpu.memory_space<semaphore_mem>>) src(%arg14 : memref<16xf32, #tpu.memory_space<vmem>>) dst(%dma_wait3A_143 : memref<16xf32, #tpu.memory_space<hbm>>)
      tpu.yield
    }) : () -> ()
    return
  }
}

module attributes {stable_mosaic.version = 14 : i64} {
  func.func @_lse_body(%arg0: memref<1000x1000xf32, #tpu.memory_space<vmem>>, %arg1: memref<1024xf32, #tpu.memory_space<vmem>>, %arg2: memref<1000x1024xf32, #tpu.memory_space<vmem>>) attributes {dimension_semantics = [], scalar_prefetch = 0 : i64, scratch_operands = 0 : i64, tpu.core_type = #tpu.core_type<tc>} {
    %get3A = arith.constant 0 : index
    %get3A_0 = arith.constant 0 : index
    %get3A_1 = vector.load %arg0[%get3A, %get3A_0] : memref<1000x1000xf32, #tpu.memory_space<vmem>>, vector<1000x1000xf32>
    %reduce_max3A = arith.constant dense<0xFF800000> : vector<1000xf32>
    %reduce_max3A_2 = vector.multi_reduction <maximumf>, %get3A_1, %reduce_max3A [1] : vector<1000x1000xf32> to vector<1000xf32>
    %broadcast_in_dim3A = vector.shape_cast %reduce_max3A_2 : vector<1000xf32> to vector<1000x1xf32>
    %sub3A = vector.broadcast %broadcast_in_dim3A : vector<1000x1xf32> to vector<1000x1000xf32>
    %sub3A_3 = arith.subf %get3A_1, %sub3A : vector<1000x1000xf32>
    %exp3A = math.exp %sub3A_3 : vector<1000x1000xf32>
    %reduce_sum3A = arith.constant dense<0.000000e+00> : vector<1000xf32>
    %reduce_sum3A_4 = vector.multi_reduction <add>, %exp3A, %reduce_sum3A [1] : vector<1000x1000xf32> to vector<1000xf32>
    %log3A = math.log %reduce_sum3A_4 : vector<1000xf32>
    %add3A = arith.addf %reduce_max3A_2, %log3A : vector<1000xf32>
    %broadcast_in_dim3A_5 = arith.constant 0.000000e+00 : f32
    %broadcast_in_dim3A_6 = vector.broadcast %broadcast_in_dim3A_5 : f32 to vector<24xf32>
    %concatenate3A = tpu.concatenate %add3A, %broadcast_in_dim3A_6 in 0 : vector<1000xf32>, vector<24xf32> -> vector<1024xf32>
    %swap3A = arith.constant 0 : index
    %swap3A_7 = vector.load %arg1[%swap3A] : memref<1024xf32, #tpu.memory_space<vmem>>, vector<1024xf32>
    tpu.vector_store %arg1[%swap3A], %concatenate3A {strides = array<i32>} : memref<1024xf32, #tpu.memory_space<vmem>>, vector<1024xf32>,
    %jit3A = arith.constant 0 : i32
    %convert_element_type3A = arith.sitofp %jit3A : i32 to f32
    %pad3A = vector.broadcast %convert_element_type3A : f32 to vector<1000x24xf32>
    %pad3A_8 = tpu.concatenate %get3A_1, %pad3A in 1 : vector<1000x1000xf32>, vector<1000x24xf32> -> vector<1000x1024xf32>
    %swap3A_9 = arith.constant 0 : index
    %swap3A_10 = arith.constant 0 : index
    %swap3A_11 = vector.load %arg2[%swap3A_9, %swap3A_10] : memref<1000x1024xf32, #tpu.memory_space<vmem>>, vector<1000x1024xf32>
    tpu.vector_store %arg2[%swap3A_9, %swap3A_10], %pad3A_8 {strides = array<i32>} : memref<1000x1024xf32, #tpu.memory_space<vmem>>, vector<1000x1024xf32>,
    return
  }
}

</mosaic_0001>

<sc_bundles>
// kernel: kernel.4.cloned.1.call-start
scs
__scs_entry_jumppad:
0x0: {  	(pc) =	sbr.rel $0x88, $3  }
0x1: {  	(tag) =	ssettag $0x0;
	lr =	simm.s32 $0x1  }
0x2: {  	[smem:$0x3F9E] =	sst lr;
	_ =	strace $0xD0000000  }
0x3: {  	_ = 	snop  }
0x4: {  	_ = 	snop  }
0x5: {  	_ = 	snop  }
0x6: {  	_ = 	snop  }
0x7: {  	_ = 	snop  }
__scs_overlays_trampoline_lowered:
0x8: {  	[smem:$0x3FAD] =	sst s0  }
0x9: {  	[smem:$0x3FAE] =	sst s1  }
0xa: {  	[smem:$0x3FAF] =	sst s2  }
0xb: {  	[smem:$0x3FB0] =	sst s3  }
0xc: {  	[smem:$0x3FB1] =	sst s4  }
0xd: {  	[smem:$0x3FB2] =	sst s5  }
0xe: {  	[smem:$0x3FB3] =	sst s6  }
0xf: {  	[smem:$0x3FB4] =	sst s7  }
0x10: {  	[smem:$0x3FB5] =	sst s8  }
0x11: {  	[smem:$0x3FB6] =	sst s9;
	s0 =	simm.s32 @!p0 $0x0  }
0x12: {  	s1 =	sld [smem:$0x3F9C];
	s0 =	simm.s32 @p0 $0x1  }
0x13: {  	[smem:$0x3FB7] =	sst s0;
	s0 =	simm.s32 @!p1 $0x0  }
0x14: {  	s2 =	sld [smem:$0x3F9B];
	s0 =	simm.s32 @p1 $0x1  }
0x15: {  	[smem:$0x3FB8] =	sst s0;
	s0 =	simm.s32 @!p2 $0x0  }
0x16: {  	s3 =	sld [smem:$0x3FDB];
	s0 =	simm.s32 @p2 $0x1  }
0x17: {  	s4 =	simm.s32 $0x1BF5;
	[smem:$0x3FBA] =	sst s0  }
0x18: {  	s0 =	sld [smem:$0x3F9D];
	_ =	swait.ge [sflag:s4], $0x0  }
0x19: {  	s7 =	sld [smem:$0x3F9E]  }
0x1a: {  	s8 =	sadd.s32 $0xFFFFE003, lr  }
0x1b: {  	s9 =	sadd.s32 $0xFFFFFEF7, lr;
	s5 =	simm.s32 $0xFFFFFFFF;
	p2 =	slt.u32 s8, $0xFFFFF086  }
0x1c: {  	p1 =	slt.u32 s9, $0xF7A;
	s5 =	simm.s32 @!p2 $0x0  }
0x1d: {  	s5 =	simm.s32 @p1 $0x1;
	p0 =	seq.s32 s7, s2  }
0x1e: {  	s7 =	smul.u32 @!p0 $0xF7A, s2;
	p2 =	seq.s32 @!p0 s5, $0x0  }
0x1f: {  	s9 =	smul.u32 $0xF7A, s1;
	s8 =	simm.s32 @!p0 $0x1BF5;
	p2 =	por !p2, p0  }
0x20: {  	[sflag:s8] =	ssyncset.s32 @!p0 $0xFFFFF086;
	s6 =	sadd.s32 @!p0 s3, s7;
	s7 =	simm.s32 @!p0 $0x108  }
0x21: {  	s3 =	sadd.s32 s3, s9;
	s6 =	sadd.s32 @!p0 $0x88, s6;
	s7 =	simm.s32 @p2 $0x1082  }
0x22: {  	[simem:s7], [sflag:s8] =	dma.local @!p0 [hbm:s6], $0xF7A  }
0x23: {  	s9 =	sor.u32 $0xD0000000, s2;
	s6 =	simm.s32 $0x108;
	_ =	swait.ge @!p0 [sflag:s8], $0x0  }
0x24: {  	s3 =	sadd.s32 $0x88, s3;
	s6 =	simm.s32 @!p1 $0x1082;
	[sflag:s4] =	ssyncset.s32 $0xFFFFF086  }
0x25: {  	[simem:s6], [sflag:s4] =	dma.local [hbm:s3], $0xF7A  }
0x26: {  	[smem:$0x3F9E] =	sst s1;
	(tag) =	ssettag s2;
	_ =	strace s9  }
0x27: {  	s1 =	sld [smem:$0x3FAE]  }
0x28: {  	s2 =	sld [smem:$0x3FAF]  }
0x29: {  	s4 =	sld [smem:$0x3FB1]  }
0x2a: {  	p0 =	seq.s32 s5, $0x0;
	s5 =	sld [smem:$0x3FB2]  }
0x2b: {  	s6 =	sld [smem:$0x3FB3]  }
0x2c: {  	s7 =	sld [smem:$0x3FB4]  }
0x2d: {  	s3 =	simm.s32 $0x108;
	s8 =	sld [smem:$0x3FB5]  }
0x2e: {  	s3 =	simm.s32 @!p0 $0x1082;
	s9 =	sld [smem:$0x3FB6]  }
0x2f: {  	lr =	sadd.s32 s0, s3;
	s0 =	sld [smem:$0x3FAD]  }
0x30: {  	s3 =	sld [smem:$0x3FB0]  }
0x31: {  	[smem:$0x3FB9] =	sst s10  }
0x32: {  	s10 =	sld [smem:$0x3FB7];
	_ =	sdelay $0x3  }
0x33: {  	p0 =	seq.s32 s10, $0x1;
	s10 =	sld [smem:$0x3FB9];
	_ =	sdelay $0x3  }
0x34: {  	[smem:$0x3FB9] =	sst s10  }
0x35: {  	s10 =	sld [smem:$0x3FB8];
	_ =	sdelay $0x3  }
0x36: {  	p1 =	seq.s32 s10, $0x1;
	s10 =	sld [smem:$0x3FB9];
	_ =	sdelay $0x3  }
0x37: {  	[smem:$0x3FB9] =	sst s10  }
0x38: {  	s10 =	sld [smem:$0x3FBA]  }
0x39: {  	_ = 	snop;
	(pc) =	sbr.ind lr, $3  }
0x3a: {  	_ = 	snop  }
0x3b: {  	_ = 	snop  }
0x3c: {  	p2 =	seq.s32 s10, $0x1;
	s10 =	sld [smem:$0x3FB9]  }
0x3d: {  	_ =	shalt  }
0x3e: {  	_ =	shalt  }
0x3f: {  	_ =	shalt  }
0x40: {  	_ =	shalt  }
0x41: {  	_ =	shalt  }
0x42: {  	_ =	shalt  }
0x43: {  	_ =	shalt  }
0x44: {  	_ =	shalt  }
0x45: {  	_ =	shalt  }
0x46: {  	_ =	shalt  }
0x47: {  	_ =	shalt  }
0x48: {  	_ =	shalt  }
0x49: {  	_ =	shalt  }
0x4a: {  	_ =	shalt  }
0x4b: {  	_ =	shalt  }
0x4c: {  	_ =	shalt  }
0x4d: {  	_ =	shalt  }
0x4e: {  	_ =	shalt  }
0x4f: {  	_ =	shalt  }
0x50: {  	_ =	shalt  }
0x51: {  	_ =	shalt  }
0x52: {  	_ =	shalt  }
0x53: {  	_ =	shalt  }
0x54: {  	_ =	shalt  }
0x55: {  	_ =	shalt  }
0x56: {  	_ =	shalt  }
0x57: {  	_ =	shalt  }
0x58: {  	_ =	shalt  }
0x59: {  	_ =	shalt  }
0x5a: {  	_ =	shalt  }
0x5b: {  	_ =	shalt  }
0x5c: {  	_ =	shalt  }
0x5d: {  	_ =	shalt  }
0x5e: {  	_ =	shalt  }
0x5f: {  	_ =	shalt  }
0x60: {  	_ =	shalt  }
0x61: {  	_ =	shalt  }
0x62: {  	_ =	shalt  }
0x63: {  	_ =	shalt  }
0x64: {  	_ =	shalt  }
0x65: {  	_ =	shalt  }
0x66: {  	_ =	shalt  }
0x67: {  	_ =	shalt  }
0x68: {  	_ =	shalt  }
0x69: {  	_ =	shalt  }
0x6a: {  	_ =	shalt  }
0x6b: {  	_ =	shalt  }
0x6c: {  	_ =	shalt  }
0x6d: {  	_ =	shalt  }
0x6e: {  	_ =	shalt  }
0x6f: {  	_ =	shalt  }
0x70: {  	_ =	shalt  }
0x71: {  	_ =	shalt  }
0x72: {  	_ =	shalt  }
0x73: {  	_ =	shalt  }
0x74: {  	_ =	shalt  }
0x75: {  	_ =	shalt  }
0x76: {  	_ =	shalt  }
0x77: {  	_ =	shalt  }
0x78: {  	_ =	shalt  }
0x79: {  	_ =	shalt  }
0x7a: {  	_ =	shalt  }
0x7b: {  	_ =	shalt  }
0x7c: {  	_ =	shalt  }
0x7d: {  	_ =	shalt  }
0x7e: {  	_ =	shalt  }
0x7f: {  	_ =	shalt  }
0x80: {  	_ =	shalt  }
0x81: {  	_ =	shalt  }
0x82: {  	_ =	shalt  }
0x83: {  	_ =	shalt  }
0x84: {  	_ =	shalt  }
0x85: {  	_ =	shalt  }
0x86: {  	_ =	shalt  }
0x87: {  	_ =	shalt  }
.Lfunc_end0:
.L_simem_size_0:
called_computation.1_lowered:
.L_overlay_start_0:
0x88: {  	s2 =	sld [smem:$0x3FD9]  }
0x89: {  	s3 =	sld [smem:$0x3FFE];
	_ =	sdelay $0x1  }
0x8a: {  	s1 =	srdreg.scid  }
0x8b: {  	s0 =	sand.u32 $0x1, s1  }
0x8c: {  	s14 =	sshll.u32 s0, $0xA;
	s2 =	sadd.s32 s3, s2  }
0x8d: {  	s2 =	sadd.s32 s2, s14  }
0x8e: {  	[smem:$0x3FC5] =	sst s2  }
0x8f: {  	_ = 	snop  }
0x90: {  	s2 =	sld [smem:$0x3FD0];
	_ =	sdelay $0x2  }
0x91: {  	s15 =	simm.s32 $0xA;
	s4 =	simm.s32 $0x10  }
0x92: {  	[smem:s4], [sflag:s15] =	dma.local [hbm:s2], $0x1  }
0x93: {  	_ =	swait.eq [sflag:s15], $0x1  }
0x94: {  	[sflag:s15] =	ssyncset.done $0x0  }
0x95: {  	[sflag:s15] =	ssyncadd.s32 $0xFFFFFFFF  }
0x96: {  	s16 =	sld [smem:$0x11];
	(tm) =	ssettm $0x1  }
0x97: {  	s17 =	sld [smem:$0x3FFB];
	_ =	sdelay $0x3  }
0x98: {  	_ =	strace s17  }
0x99: {  	s3 =	sld [smem:$0x3FFC];
	_ =	sdelay $0x3  }
0x9a: {  	_ =	strace s3  }
0x9b: {  	s3 =	sld [smem:$0x3FFD];
	_ =	sdelay $0x3  }
0x9c: {  	_ =	strace s3  }
0x9d: {  	_ =	strace $0x8FFFFFFF  }
0x9e: {  	s18 =	sld [smem:$0x3FDB];
	_ =	sdelay $0x1  }
0x9f: {  	s19 =	simm.s32 $_scs_section_size  }
0xa0: {  	s5 =	simm.s32 $_size__tile_overlayer_lowered;
	s6 =	simm.s32 $_tile_overlayer_lowered  }
0xa1: {  	s22 =	simm.s32 $0x1BFF;
	s21 =	sshll.u32 s6, $0x1;
	s3 =	sadd.s32 s19, s18  }
0xa2: {  	s7 =	simm.s32 $0x0;
	s20 =	sshll.u32 s5, $0x1;
	s5 =	sadd.s32 s21, s3  }
0xa3: {  	[timem:s7], [sflag:s22] =	dma.local [hbm:s5], s20  }
0xa4: {  	_ =	swait.ge [sflag:s22], s20  }
0xa5: {  	s4 =	ssub.s32 $0x0, s20;
	[sflag:s22] =	ssyncset.done $0x0  }
0xa6: {  	[sflag:s22] =	ssyncadd.s32 s4;
	_ =	sdelay $0x1  }
0xa7: {  	s23 =	simm.s32 $0x1B8B  }
0xa8: {  	_ =	swait.ge [sflag:s23], $0x1  }
0xa9: {  	[sflag:s23] =	ssyncset.done $0x0  }
0xaa: {  	s25 =	simm.s32 $0x1B8E;
	s24 =	sld [smem:$0x3FFE];
	[sflag:s23] =	ssyncadd.s32 $0xFFFFFFFF  }
0xab: {  	s26 =	simm.s32 $execute0_lowered;
	[smem:$0x3FD2] =	sst s25  }
0xac: {  	s5 =	sshll.u32 s26, $0x1;
	_ =	strace $0x80000046;
	[dreg:$0x1] =	wrdreg $0xFFFFFFFF  }
0xad: {  	s28 =	simm.s32 $_size_execute0_lowered;
	s3 =	sadd.s32 s3, s5;
	[dreg:$0x0] =	wrdreg $0x0  }
0xae: {  	s5 =	sshll.u32 s28, $0x1;
	[dreg:$0x2] =	wrdreg s3  }
0xaf: {  	[dreg:$0x3] =	wrdreg s5  }
0xb0: {  	[dreg:$0x4] =	wrdreg $0xC0  }
0xb1: {  	_ =	task [dreg:s7], $0x5FFFF  }
0xb2: {  	[dreg:$0x1] =	wrdreg $0xFFFFFFFF  }
0xb3: {  	[dreg:$0x0] =	wrdreg $0x60  }
0xb4: {  	[dreg:$0x2] =	wrdreg s16  }
0xb5: {  	[dreg:$0x3] =	wrdreg s24  }
0xb6: {  	[dreg:$0x4] =	wrdreg $0x9  }
0xb7: {  	_ =	task.clear_ibuf [dreg:s7], $0x5FFFF;
	_ =	strace $0x90000046  }
0xb8: {  	s29 =	simm.s32 $0x9;
	_ =	strace $0x80000048  }
0xb9: {  	_ =	swait.ge [sflag:s29], $0x1  }
0xba: {  	[sflag:s29] =	ssyncadd.s32 $0xFFFFFFFF  }
0xbb: {  	_ =	strace $0x90000048  }
0xbc: {  	_ =	sfence  }
0xbd: {  	s30 =	sld [smem:$0x0];
	_ =	sdelay $0x2  }
0xbe: {  	s31 =	sshll.u32 s1, $0xD;
	s1 =	sshrl.u32 s1, $0x2  }
0xbf: {  	s3 =	sand.u32 $0x4000, s31;
	s1 =	sadd.s32 s1, s30  }
0xc0: {  	s0 =	sor.u32 s3, s0;
	s1 =	sshll.u32 s1, $0x11  }
0xc1: {  	s0 =	sor.u32 s1, s0  }
0xc2: {  	s0 =	sadd.s32 $0x8F2B, s0  }
0xc3: {  	[sflag:s0] =	ssyncadd.remote.s32 $0x1  }
0xc4: {  	_ =	sfence.sel $0xFFFF  }
0xc5: {  	[dreg:$0x0] =	wrdreg $0xFFFFFFFF;
	(pc) =	sbr.abs _section_cstart, $3  }
0xc6: {  	[dreg:$0x1] =	wrdreg $0xFFFFFFFF  }
0xc7: {  	_ =	task.clear_ibuf [dreg:s7], $0x2FFFF;
	_ =	strace $0x9FFFFFFF  }
0xc8: {  	(tm) =	ssettm $0x7FFFFFFF  }
0xc9: {  	_ =	shalt  }
tec
execute0_lowered:
.L_overlay_start_1:
0x0: {  	(tag) =	ssettag $0x1  }
0x1: {  	s0 =	srdreg.scid;
	s2 =	rddreg [dreg:$0x0]  }
0x2: {  	s12 =	stileid.u32;
	s4 =	rddreg [dreg:$0x1]  }
0x3: {  	s3 =	simm.s32 $0x0;
	s13 =	simm.s32 $0x15C00;
	s15 =	simm.s32 $0x16400  }
0x4: {  	s17 =	simm.s32 $0x16C00;
	s1 =	sshll.u32 s12, $0x1;
	s8 =	smul.u32 $0x320000, s12  }
0x5: {  	[smem:$0x7FF] =	sst s3;
	s6 =	sadd.s32 $0xF200, s4;
	s26 =	smul.u32 $0x64000, s12  }
0x6: {  	s12 =	simm.s32 $0x15400;
	_ =	strace $0x80000047;
	[dreg:$0x15] =	wrdreg s6  }
0x7: {  	s18 =	simm.s32 $0x17400;
	s19 =	simm.s32 $0x17C00;
	[dreg:$0x8] =	wrdreg s12  }
0x8: {  	s20 =	simm.s32 $0x18400;
	s21 =	simm.s32 $0x18C00;
	[dreg:$0x9] =	wrdreg s13  }
0x9: {  	s31 =	simm.s32 $0xB400;
	s28 =	simm.s32 $0x2;
	[dreg:$0xa] =	wrdreg s15  }
0xa: {  	s29 =	simm.s32 $0x4;
	s30 =	simm.s32 $0x3;
	[dreg:$0xb] =	wrdreg s17  }
0xb: {  	s0 =	sand.u32 $0x1, s0;
	s22 =	sadd.s32 $0xF600, s4;
	[dreg:$0xc] =	wrdreg s18  }
0xc: {  	s1 =	sor.u32 s0, s1;
	s11 =	smul.u32 $0x190000, s0;
	[dreg:$0xd] =	wrdreg s19  }
0xd: {  	s7 =	ssub.s32 $0x2, s0;
	s0 =	smul.u32 $0x32000, s0;
	[dreg:$0xe] =	wrdreg s20  }
0xe: {  	s6 =	simm.s32 $0x14C00;
	s17 =	simm.s32 $0x3C00;
	[dreg:$0xf] =	wrdreg s21  }
0xf: {  	s12 =	simm.s32 $0x6400;
	s13 =	simm.s32 $0x6C00;
	s18 =	simm.s32 $0x7C00  }
0x10: {  	s19 =	simm.s32 $0x8400;
	s20 =	simm.s32 $0x8C00;
	s21 =	simm.s32 $0x9400  }
0x11: {  	s15 =	simm.s32 $0xBC00;
	s5 =	smul.u32 $0x380, s1;
	s9 =	sshll.u32 s1, $0x4  }
0x12: {  	s10 =	sshrl.u32 s7, $0x1;
	s1 =	smul.u32 $0x190000, s1;
	[dreg:$0x7] =	wrdreg s6  }
0x13: {  	s6 =	simm.s32 $0x4C00;
	s10 =	ssub.s32 s7, s10;
	s7 =	sadd.s32 $0x100, s2  }
0x14: {  	v2 =	vlaneseq.u32;
	vm0 =	vmmov $0xffff;
	s24 =	sadd.s32 s11, s8;
	s8 =	sadd.s32 $0x200, s2;
	s11 =	sadd.s32 s26, s22  }
0x15: {  	v3 =	vimm.s32 $0x2380;
	vm1 =	vcmask $0x300;
	v4 =	vimm.s32 $0x6380;
	s26 =	simm.s32 $0x1B400;
	s5 =	sadd.s32 s5, s4;
	s4 =	sadd.s32 s9, s4  }
0x16: {  	vm2 =	vcmask $0x704;
	v1 =	vshrl.u32 v2, $0x3;
	v0 =	vand.u32 $0x7, v2;
	s25 =	sor.u32 $0x8000, s24;
	s0 =	sadd.s32 s0, s11;
	s1 =	sshrl.u32 s1, $0x3  }
0x17: {  	v3 =	vsel vm1, $0x0, v3;
	v4 =	vsel vm1, $0x4000, v4;
	vm1 =	vcmask $0xB08;
	s16 =	smax.u32 s10, $0x1;
	s10 =	simm.s32 $0x5400;
	[dreg:$0x14] =	wrdreg s26  }
0x18: {  	v2 =	vor.u32 $0x8, v2;
	v3 =	vsel vm2, $0x80, v3;
	v4 =	vsel vm2, $0x4080, v4;
	s26 =	simm.s32 $0x13C00;
	s23 =	sadd.s32 $0x1200, s5;
	[dreg:$0x5] =	wrdreg s0  }
0x19: {  	vm2 =	vcmask $0xF0C;
	v3 =	vsel vm1, $0x100, v3;
	v4 =	vsel vm1, $0x4100, v4;
	s5 =	sadd.s32 $0x8200, s5;
	s9 =	sshrl.u32 s25, $0x3;
	[dreg:$0x1b] =	wrdreg s16  }
0x1a: {  	vm1 =	vcmask $0x1310;
	v3 =	vsel vm2, $0x180, v3;
	v4 =	vsel vm2, $0x4180, v4;
	s1 =	sadd.s32 s22, s1;
	s14 =	sadd.s32 $0xF400, s4;
	[dreg:$0x16] =	wrdreg s23  }
0x1b: {  	vm2 =	vcmask $0x1714;
	v3 =	vsel vm1, $0x200, v3;
	v4 =	vsel vm1, $0x4200, v4;
	s16 =	simm.s32 $0x3800;
	s25 =	simm.s32 $0x1AC00;
	[dreg:$0x17] =	wrdreg s5  }
0x1c: {  	vm1 =	vcmask $0x1B18;
	v3 =	vsel vm2, $0x280, v3;
	v4 =	vsel vm2, $0x4280, v4;
	s4 =	simm.s32 $0x0;
	s5 =	sadd.s32 $0x10000, s24;
	[dreg:$0x1a] =	wrdreg s14  }
0x1d: {  	vm2 =	vcmask $0x1F1C;
	s9 =	sadd.s32 s9, s22;
	s11 =	sadd.s32 $0x30000, s1;
	[dreg:$0x13] =	wrdreg s25;
	v3 =	vsel vm1, $0x300, v3;
	v4 =	vsel vm1, $0x4300, v4  }
0x1e: {  	s1 =	sadd.s32 $0x31000, s1;
	s23 =	simm.s32 $0x19C00;
	vm1 =	vcmask $0x2320;
	[dreg:$0x3] =	wrdreg s9;
	v3 =	vsel vm2, $0x380, v3;
	v4 =	vsel vm2, $0x4380, v4  }
0x1f: {  	s24 =	simm.s32 $0x1A400;
	s14 =	simm.s32 $0x7400;
	[dreg:$0x18] =	wrdreg s11;
	vm2 =	vcmask $0x2724;
	v3 =	vsel vm1, $0x2000, v3;
	v4 =	vsel vm1, $0x6000, v4  }
0x20: {  	s25 =	simm.s32 $0x1;
	s5 =	sshrl.u32 s5, $0x3;
	[dreg:$0x19] =	wrdreg s1;
	vm1 =	vcmask $0x2B28;
	v3 =	vsel vm2, $0x2080, v3;
	v4 =	vsel vm2, $0x6080, v4  }
0x21: {  	s9 =	sadd.s32 $0x300, s2;
	s1 =	simm.s32 $0x7;
	[dreg:$0x11] =	wrdreg s23;
	vm2 =	vcmask $0x2F2C;
	v3 =	vsel vm1, $0x2100, v3;
	v4 =	vsel vm1, $0x6100, v4  }
0x22: {  	s11 =	simm.s32 $0x5C00;
	[dreg:$0x12] =	wrdreg s24;
	s5 =	sadd.s32 s5, s22;
	vm1 =	vcmask $0x3330;
	v3 =	vsel vm2, $0x2180, v3;
	v4 =	vsel vm2, $0x6180, v4  }
0x23: {  	s23 =	simm.s32 $0xA400;
	s22 =	simm.s32 $0x19400;
	[dreg:$0x4] =	wrdreg s5;
	vm2 =	vcmask $0x3734;
	v3 =	vsel vm1, $0x2200, v3;
	v4 =	vsel vm1, $0x6200, v4  }
0x24: {  	s24 =	simm.s32 $0xAC00;
	s5 =	simm.s32 $0x14400;
	[dreg:$0x10] =	wrdreg s22;
	vm1 =	vcmask $0x3B38;
	v3 =	vsel vm2, $0x2280, v3;
	v4 =	vsel vm2, $0x6280, v4  }
0x25: {  	v1 =	vmul.u32 $0x8, v1;
	s22 =	simm.s32 $0x9C00;
	[dreg:$0x6] =	wrdreg s5;
	s5 =	simm.s32 $0x4400;
	v3 =	vsel vm1, $0x2300, v3;
	v4 =	vsel vm1, $0x6300, v4  }
.LBB2_1:
0x26: {  	[dreg:$0x1c] =	wrdreg s4  }
0x27: {  	s0 =	rddreg [dreg:$0x16]  }
0x28: {  	[tilespmem:s3], [sflag:$0x7] =	stream.linear.gather [hbm4b:s0+s3], $0x1900, $0x38;
	[tilespmem:$0x1BC80] =	vst v63  }
0x29: {  	_ =	swait.ge [sflag:s1], $0x1900  }
0x2a: {  	[sflag:s1] =	ssyncset.done $0x0  }
0x2b: {  	s4 =	simm.s32 $0x1C00;
	s0 =	rddreg [dreg:$0x17];
	[sflag:s1] =	ssyncadd.s32 $0xFFFFE700  }
0x2c: {  	[tilespmem:s4], [sflag:$0x7] =	stream.linear.gather [hbm4b:s0+s3], $0x1900, $0x38;
	[tilespmem:$0x1BC80] =	vst v63  }
0x2d: {  	_ =	swait.ge [sflag:s1], $0x1900  }
0x2e: {  	[sflag:s1] =	ssyncset.done $0x0  }
0x2f: {  	s4 =	rddreg [dreg:$0x15];
	[sflag:s1] =	ssyncadd.s32 $0xFFFFE700  }
0x30: {  	[tilespmem:s16], [sflag:$0x7] =	stream.linear.gather [hbm4b:s4+s3], $0x400, $0x38;
	[tilespmem:$0x1BC80] =	vst v63  }
0x31: {  	_ =	swait.ge [sflag:s1], $0x400  }
0x32: {  	[sflag:s1] =	ssyncset.done $0x0  }
0x33: {  	[sflag:s1] =	ssyncadd.s32 $0xFFFFFC00  }
0x34: {  	v5 =	vld [tilespmem:$0x0];
	_ =	sdelay $0x4  }
0x35: {  	v6 =	vshll.u32 v5, $0x3  }
0x36: {  	v5 =	vand.u32 $0x7, v5;
	v6 =	vand.u32 $0xFFFFFFC0, v6  }
0x37: {  	v5 =	vor.u32 v5, v6  }
0x38: {  	v6 =	vperm.xlane v5, v0;
	_ =	sdelay $0x1  }
0x39: {  	v6 =	vadd.s32 v1, v6;
	_ =	sdelay $0x4  }
0x3a: {  	[tilespmem:s17], [sflag:$0x1] =	stream.indirect_vreg.gather [hbm4b:s2+s3], $0x80, v6, vm0, $0xb8;
	[tilespmem:$0x1BC80] =	vst v63  }
0x3b: {  	v5 =	vperm.xlane v5, v2  }
0x3c: {  	[tilespmem:s5], [sflag:$0x1] =	stream.indirect_vreg.gather [hbm4b:s7+s3], $0x80, v6, vm0, $0xb8;
	[tilespmem:$0x1BC80] =	vst v63  }
0x3d: {  	v5 =	vadd.s32 v1, v5  }
0x3e: {  	[tilespmem:s6], [sflag:$0x1] =	stream.indirect_vreg.gather [hbm4b:s8+s3], $0x80, v6, vm0, $0xb8;
	[tilespmem:$0x1BC80] =	vst v63  }
0x3f: {  	_ = 	snop  }
0x40: {  	[tilespmem:s10], [sflag:$0x1] =	stream.indirect_vreg.gather [hbm4b:s9+s3], $0x80, v6, vm0, $0xb8;
	[tilespmem:$0x1BC80] =	vst v63  }
0x41: {  	_ = 	snop  }
0x42: {  	[tilespmem:s11], [sflag:$0x1] =	stream.indirect_vreg.gather [hbm4b:s2+s3], $0x80, v5, vm0, $0xb8;
	[tilespmem:$0x1BC80] =	vst v63  }
0x43: {  	_ = 	snop  }
0x44: {  	[tilespmem:s12], [sflag:$0x1] =	stream.indirect_vreg.gather [hbm4b:s7+s3], $0x80, v5, vm0, $0xb8;
	[tilespmem:$0x1BC80] =	vst v63  }
0x45: {  	_ = 	snop  }
0x46: {  	[tilespmem:s13], [sflag:$0x1] =	stream.indirect_vreg.gather [hbm4b:s8+s3], $0x80, v5, vm0, $0xb8;
	[tilespmem:$0x1BC80] =	vst v63  }
0x47: {  	_ = 	snop  }
0x48: {  	[tilespmem:s14], [sflag:$0x1] =	stream.indirect_vreg.gather [hbm4b:s9+s3], $0x80, v5, vm0, $0xb8;
	[tilespmem:$0x1BC80] =	vst v63  }
0x49: {  	v5 =	vld [tilespmem:$0x10];
	_ =	sdelay $0x4  }
0x4a: {  	v6 =	vshll.u32 v5, $0x3  }
0x4b: {  	v5 =	vand.u32 $0x7, v5;
	v6 =	vand.u32 $0xFFFFFFC0, v6  }
0x4c: {  	v5 =	vor.u32 v5, v6  }
0x4d: {  	v6 =	vperm.xlane v5, v0;
	_ =	sdelay $0x1  }
0x4e: {  	v6 =	vadd.s32 v1, v6;
	_ =	sdelay $0x4  }
0x4f: {  	[tilespmem:s18], [sflag:$0x1] =	stream.indirect_vreg.gather [hbm4b:s2+s3], $0x80, v6, vm0, $0xb8;
	[tilespmem:$0x1BC80] =	vst v63  }
0x50: {  	v5 =	vperm.xlane v5, v2  }
0x51: {  	[tilespmem:s19], [sflag:$0x1] =	stream.indirect_vreg.gather [hbm4b:s7+s3], $0x80, v6, vm0, $0xb8;
	[tilespmem:$0x1BC80] =	vst v63  }
0x52: {  	v5 =	vadd.s32 v1, v5  }
0x53: {  	[tilespmem:s20], [sflag:$0x1] =	stream.indirect_vreg.gather [hbm4b:s8+s3], $0x80, v6, vm0, $0xb8;
	[tilespmem:$0x1BC80] =	vst v63  }
0x54: {  	s0 =	simm.s32 $0x0  }
0x55: {  	[tilespmem:s21], [sflag:$0x1] =	stream.indirect_vreg.gather [hbm4b:s9+s3], $0x80, v6, vm0, $0xb8;
	[tilespmem:$0x1BC80] =	vst v63  }
0x56: {  	s1 =	simm.s32 $0x100;
	s6 =	simm.s32 $0xB400;
	s10 =	simm.s32 $0x5400  }
0x57: {  	[tilespmem:s22], [sflag:$0x1] =	stream.indirect_vreg.gather [hbm4b:s2+s3], $0x80, v5, vm0, $0xb8;
	[tilespmem:$0x1BC80] =	vst v63  }
0x58: {  	s11 =	simm.s32 $0x5C00;
	s12 =	simm.s32 $0x6400;
	s13 =	simm.s32 $0x6C00  }
0x59: {  	[tilespmem:s23], [sflag:$0x1] =	stream.indirect_vreg.gather [hbm4b:s7+s3], $0x80, v5, vm0, $0xb8;
	[tilespmem:$0x1BC80] =	vst v63  }
0x5a: {  	s14 =	simm.s32 $0x7400;
	s18 =	simm.s32 $0x7C00;
	s19 =	simm.s32 $0x8400  }
0x5b: {  	[tilespmem:s24], [sflag:$0x1] =	stream.indirect_vreg.gather [hbm4b:s8+s3], $0x80, v5, vm0, $0xb8;
	[tilespmem:$0x1BC80] =	vst v63  }
0x5c: {  	s20 =	simm.s32 $0x8C00;
	s21 =	simm.s32 $0x9400;
	s22 =	simm.s32 $0x9C00  }
0x5d: {  	[tilespmem:s31], [sflag:$0x1] =	stream.indirect_vreg.gather [hbm4b:s9+s3], $0x80, v5, vm0, $0xb8;
	[tilespmem:$0x1BC80] =	vst v63  }
0x5e: {  	s23 =	simm.s32 $0xA400;
	s24 =	simm.s32 $0xAC00;
	v5 =	vimm.f32 $0.0e+00;
	s31 =	simm.s32 $0x1C90  }
.LBB2_2:
0x5f: {  	p0 =	seq.s32 s0, $0x0  }
0x60: {  	s4 =	simm.s32 @!p0 $0x5  }
0x61: {  	_ =	swait.ge @!p0 [sflag:s4], $0x8000  }
0x62: {  	[sflag:s4] =	ssyncset.done @!p0 $0x0  }
0x63: {  	[sflag:s4] =	ssyncadd.s32 @!p0 $0xFFFF8000  }
0x64: {  	v6 =	vld [tilespmem:s1+$0xFFFFFF80];
	_ =	sdelay $0x4  }
0x65: {  	v7 =	vshll.u32 v6, $0x3  }
0x66: {  	v6 =	vand.u32 $0x7, v6;
	v7 =	vand.u32 $0xFFFFFFC0, v7  }
0x67: {  	v6 =	vor.u32 v6, v7  }
0x68: {  	v7 =	vperm.xlane v6, v0;
	_ =	sdelay $0x1  }
0x69: {  	v7 =	vadd.s32 v1, v7;
	_ =	sdelay $0x4  }
0x6a: {  	[tilespmem:s15], [sflag:$0x2] =	stream.indirect_vreg.gather [hbm4b:s2+s3], $0x80, v7, vm0, $0xb8;
	[tilespmem:$0x1BC80] =	vst v63  }
0x6b: {  	s5 =	simm.s32 $0xC400;
	v6 =	vperm.xlane v6, v2  }
0x6c: {  	[tilespmem:s5], [sflag:$0x2] =	stream.indirect_vreg.gather [hbm4b:s7+s3], $0x80, v7, vm0, $0xb8;
	[tilespmem:$0x1BC80] =	vst v63  }
0x6d: {  	v6 =	vadd.s32 v1, v6;
	s5 =	simm.s32 $0xCC00  }
0x6e: {  	[tilespmem:s5], [sflag:$0x2] =	stream.indirect_vreg.gather [hbm4b:s8+s3], $0x80, v7, vm0, $0xb8;
	[tilespmem:$0x1BC80] =	vst v63  }
0x6f: {  	s5 =	simm.s32 $0xD400  }
0x70: {  	[tilespmem:s5], [sflag:$0x2] =	stream.indirect_vreg.gather [hbm4b:s9+s3], $0x80, v7, vm0, $0xb8;
	[tilespmem:$0x1BC80] =	vst v63  }
0x71: {  	s5 =	simm.s32 $0xDC00  }
0x72: {  	[tilespmem:s5], [sflag:$0x2] =	stream.indirect_vreg.gather [hbm4b:s2+s3], $0x80, v6, vm0, $0xb8;
	[tilespmem:$0x1BC80] =	vst v63  }
0x73: {  	s5 =	simm.s32 $0xE400  }
0x74: {  	[tilespmem:s5], [sflag:$0x2] =	stream.indirect_vreg.gather [hbm4b:s7+s3], $0x80, v6, vm0, $0xb8;
	[tilespmem:$0x1BC80] =	vst v63  }
0x75: {  	s5 =	simm.s32 $0xEC00  }
0x76: {  	[tilespmem:s5], [sflag:$0x2] =	stream.indirect_vreg.gather [hbm4b:s8+s3], $0x80, v6, vm0, $0xb8;
	[tilespmem:$0x1BC80] =	vst v63  }
0x77: {  	s5 =	simm.s32 $0xF400  }
0x78: {  	[tilespmem:s5], [sflag:$0x2] =	stream.indirect_vreg.gather [hbm4b:s9+s3], $0x80, v6, vm0, $0xb8;
	[tilespmem:$0x1BC80] =	vst v63  }
0x79: {  	v6 =	vld [tilespmem:s1+$0xFFFFFF90];
	_ =	sdelay $0x4  }
0x7a: {  	v7 =	vshll.u32 v6, $0x3  }
0x7b: {  	v6 =	vand.u32 $0x7, v6;
	v7 =	vand.u32 $0xFFFFFFC0, v7  }
0x7c: {  	v6 =	vor.u32 v6, v7  }
0x7d: {  	v7 =	vperm.xlane v6, v0;
	_ =	sdelay $0x1  }
0x7e: {  	v7 =	vadd.s32 v1, v7;
	_ =	sdelay $0x3  }
0x7f: {  	s5 =	simm.s32 $0xFC00  }
0x80: {  	[tilespmem:s5], [sflag:$0x2] =	stream.indirect_vreg.gather [hbm4b:s2+s3], $0x80, v7, vm0, $0xb8;
	[tilespmem:$0x1BC80] =	vst v63  }
0x81: {  	v6 =	vperm.xlane v6, v2;
	s5 =	simm.s32 $0x10400  }
0x82: {  	[tilespmem:s5], [sflag:$0x2] =	stream.indirect_vreg.gather [hbm4b:s7+s3], $0x80, v7, vm0, $0xb8;
	[tilespmem:$0x1BC80] =	vst v63  }
0x83: {  	v6 =	vadd.s32 v1, v6;
	s5 =	simm.s32 $0x10C00  }
0x84: {  	[tilespmem:s5], [sflag:$0x2] =	stream.indirect_vreg.gather [hbm4b:s8+s3], $0x80, v7, vm0, $0xb8;
	[tilespmem:$0x1BC80] =	vst v63  }
0x85: {  	s5 =	simm.s32 $0x11400  }
0x86: {  	[tilespmem:s5], [sflag:$0x2] =	stream.indirect_vreg.gather [hbm4b:s9+s3], $0x80, v7, vm0, $0xb8;
	[tilespmem:$0x1BC80] =	vst v63  }
0x87: {  	s5 =	simm.s32 $0x11C00  }
0x88: {  	[tilespmem:s5], [sflag:$0x2] =	stream.indirect_vreg.gather [hbm4b:s2+s3], $0x80, v6, vm0, $0xb8;
	[tilespmem:$0x1BC80] =	vst v63  }
0x89: {  	s5 =	simm.s32 $0x12400  }
0x8a: {  	[tilespmem:s5], [sflag:$0x2] =	stream.indirect_vreg.gather [hbm4b:s7+s3], $0x80, v6, vm0, $0xb8;
	[tilespmem:$0x1BC80] =	vst v63  }
0x8b: {  	s5 =	simm.s32 $0x12C00  }
0x8c: {  	[tilespmem:s5], [sflag:$0x2] =	stream.indirect_vreg.gather [hbm4b:s8+s3], $0x80, v6, vm0, $0xb8;
	[tilespmem:$0x1BC80] =	vst v63  }
0x8d: {  	s5 =	simm.s32 $0x13400  }
0x8e: {  	[tilespmem:s5], [sflag:$0x2] =	stream.indirect_vreg.gather [hbm4b:s9+s3], $0x80, v6, vm0, $0xb8;
	[tilespmem:$0x1BC80] =	vst v63  }
0x8f: {  	_ =	swait.ge [sflag:s25], $0x8000  }
0x90: {  	s5 =	rddreg [dreg:$0x5];
	[sflag:s25] =	ssyncset.done $0x0  }
0x91: {  	[sflag:s25] =	ssyncadd.s32 $0xFFFF8000;
	s4 =	sadd.s32 s0, s5  }
0x92: {  	[hbm4b:s4+s3] =	stream.linear.scatter [tilespmem:s17], [sflag:$0x4], $0x8000, $0x38;
	[tilespmem:$0x1BC80] =	vst v63  }
0x93: {  	v6 =	vld [tilespmem:s31+$0xFFFFFF70]  }
0x94: {  	v7 =	vld [tilespmem:s31+$0xFFFFFF80];
	_ =	sdelay $0x1  }
0x95: {  	v9 =	vld [tilespmem:s1+$0xFFFFFF00]  }
0x96: {  	v10 =	vld [tilespmem:s1+$0xFFFFFF10]  }
0x97: {  	v8 =	vshll.u32 v6, $0x3  }
0x98: {  	v6 =	vand.u32 $0x7F, v6;
	v46 =	vshll.u32 v7, $0x3;
	v8 =	vand.u32 $0xFFFFFC00, v8  }
0x99: {  	v7 =	vand.u32 $0x7F, v7;
	v6 =	vor.u32 v6, v8;
	v8 =	vand.u32 $0xFFFFFC00, v46  }
0x9a: {  	v6 =	vadd.s32 v3, v6;
	v7 =	vor.u32 v7, v8  }
0x9b: {  	v7 =	vadd.s32 v4, v7;
	_ =	sdelay $0x1  }
0x9c: {  	v47 =	vld.idx.msk [tilespmem:v9+s16+$0x0], $0xffff  }
0x9d: {  	v48 =	vld.idx.msk [tilespmem:v10+s16+$0x0], $0xffff  }
0x9e: {  	s4 =	simm.s32 @!p0 $0x6;
	v6 =	vld.idx.msk [tilespmem:v6+s17+$0x0], $0xffff  }
0x9f: {  	v7 =	vld.idx.msk [tilespmem:v7+s17+$0x0], $0xffff;
	_ =	swait.ge @!p0 [sflag:s4], $0x8000  }
0xa0: {  	[sflag:s4] =	ssyncset.done @!p0 $0x0  }
0xa1: {  	[sflag:s4] =	ssyncadd.s32 @!p0 $0xFFFF8000  }
0xa2: {  	v49 =	vld [tilespmem:s1+$0x0];
	_ =	sdelay $0x4  }
0xa3: {  	v11 =	vshll.u32 v49, $0x3  }
0xa4: {  	v10 =	vand.u32 $0x7, v49;
	v11 =	vand.u32 $0xFFFFFFC0, v11  }
0xa5: {  	v10 =	vor.u32 v10, v11  }
0xa6: {  	v11 =	vperm.xlane v10, v0;
	_ =	sdelay $0x1  }
0xa7: {  	v11 =	vadd.s32 v1, v11;
	_ =	sdelay $0x4  }
0xa8: {  	[tilespmem:s26], [sflag:$0x3] =	stream.indirect_vreg.gather [hbm4b:s2+s3], $0x80, v11, vm0, $0xb8;
	[tilespmem:$0x1BC80] =	vst v63  }
0xa9: {  	s4 =	rddreg [dreg:$0x6];
	v10 =	vperm.xlane v10, v2  }
0xaa: {  	[tilespmem:s4], [sflag:$0x3] =	stream.indirect_vreg.gather [hbm4b:s7+s3], $0x80, v11, vm0, $0xb8;
	[tilespmem:$0x1BC80] =	vst v63  }
0xab: {  	s5 =	rddreg [dreg:$0x7];
	v10 =	vadd.s32 v1, v10  }
0xac: {  	[tilespmem:s5], [sflag:$0x3] =	stream.indirect_vreg.gather [hbm4b:s8+s3], $0x80, v11, vm0, $0xb8;
	[tilespmem:$0x1BC80] =	vst v63  }
0xad: {  	s4 =	rddreg [dreg:$0x8]  }
0xae: {  	[tilespmem:s4], [sflag:$0x3] =	stream.indirect_vreg.gather [hbm4b:s9+s3], $0x80, v11, vm0, $0xb8;
	[tilespmem:$0x1BC80] =	vst v63  }
0xaf: {  	s5 =	rddreg [dreg:$0x9]  }
0xb0: {  	[tilespmem:s5], [sflag:$0x3] =	stream.indirect_vreg.gather [hbm4b:s2+s3], $0x80, v10, vm0, $0xb8;
	[tilespmem:$0x1BC80] =	vst v63  }
0xb1: {  	s4 =	rddreg [dreg:$0xa]  }
0xb2: {  	[tilespmem:s4], [sflag:$0x3] =	stream.indirect_vreg.gather [hbm4b:s7+s3], $0x80, v10, vm0, $0xb8;
	[tilespmem:$0x1BC80] =	vst v63  }
0xb3: {  	s5 =	rddreg [dreg:$0xb]  }
0xb4: {  	[tilespmem:s5], [sflag:$0x3] =	stream.indirect_vreg.gather [hbm4b:s8+s3], $0x80, v10, vm0, $0xb8;
	[tilespmem:$0x1BC80] =	vst v63  }
0xb5: {  	s4 =	rddreg [dreg:$0xc]  }
0xb6: {  	[tilespmem:s4], [sflag:$0x3] =	stream.indirect_vreg.gather [hbm4b:s9+s3], $0x80, v10, vm0, $0xb8;
	[tilespmem:$0x1BC80] =	vst v63  }
0xb7: {  	v10 =	vld [tilespmem:s1+$0x10];
	_ =	sdelay $0x4  }
0xb8: {  	v50 =	vshll.u32 v10, $0x3  }
0xb9: {  	v10 =	vand.u32 $0x7, v10;
	v11 =	vand.u32 $0xFFFFFFC0, v50  }
0xba: {  	v10 =	vor.u32 v10, v11  }
0xbb: {  	v11 =	vperm.xlane v10, v0;
	_ =	sdelay $0x1  }
0xbc: {  	v11 =	vadd.s32 v1, v11;
	_ =	sdelay $0x3  }
0xbd: {  	s4 =	rddreg [dreg:$0xd]  }
0xbe: {  	[tilespmem:s4], [sflag:$0x3] =	stream.indirect_vreg.gather [hbm4b:s2+s3], $0x80, v11, vm0, $0xb8;
	[tilespmem:$0x1BC80] =	vst v63  }
0xbf: {  	s5 =	rddreg [dreg:$0xe];
	v10 =	vperm.xlane v10, v2  }
0xc0: {  	[tilespmem:s5], [sflag:$0x3] =	stream.indirect_vreg.gather [hbm4b:s7+s3], $0x80, v11, vm0, $0xb8;
	[tilespmem:$0x1BC80] =	vst v63  }
0xc1: {  	v10 =	vadd.s32 v1, v10;
	s4 =	rddreg [dreg:$0xf]  }
0xc2: {  	[tilespmem:s4], [sflag:$0x3] =	stream.indirect_vreg.gather [hbm4b:s8+s3], $0x80, v11, vm0, $0xb8;
	[tilespmem:$0x1BC80] =	vst v63  }
0xc3: {  	s5 =	rddreg [dreg:$0x10]  }
0xc4: {  	[tilespmem:s5], [sflag:$0x3] =	stream.indirect_vreg.gather [hbm4b:s9+s3], $0x80, v11, vm0, $0xb8;
	[tilespmem:$0x1BC80] =	vst v63  }
0xc5: {  	s4 =	rddreg [dreg:$0x11]  }
0xc6: {  	[tilespmem:s4], [sflag:$0x3] =	stream.indirect_vreg.gather [hbm4b:s2+s3], $0x80, v10, vm0, $0xb8;
	[tilespmem:$0x1BC80] =	vst v63  }
0xc7: {  	s5 =	rddreg [dreg:$0x12]  }
0xc8: {  	[tilespmem:s5], [sflag:$0x3] =	stream.indirect_vreg.gather [hbm4b:s7+s3], $0x80, v10, vm0, $0xb8;
	[tilespmem:$0x1BC80] =	vst v63  }
0xc9: {  	s4 =	rddreg [dreg:$0x13]  }
0xca: {  	[tilespmem:s4], [sflag:$0x3] =	stream.indirect_vreg.gather [hbm4b:s8+s3], $0x80, v10, vm0, $0xb8;
	[tilespmem:$0x1BC80] =	vst v63  }
0xcb: {  	s5 =	rddreg [dreg:$0x14]  }
0xcc: {  	[tilespmem:s5], [sflag:$0x3] =	stream.indirect_vreg.gather [hbm4b:s9+s3], $0x80, v10, vm0, $0xb8;
	[tilespmem:$0x1BC80] =	vst v63  }
0xcd: {  	_ =	swait.ge [sflag:s28], $0x8000  }
0xce: {  	s4 =	rddreg [dreg:$0x3];
	[sflag:s28] =	ssyncset.done $0x0  }
0xcf: {  	[sflag:s28] =	ssyncadd.s32 $0xFFFF8000;
	s4 =	sadd.s32 s0, s4  }
0xd0: {  	[hbm4b:s4+s3] =	stream.linear.scatter [tilespmem:s15], [sflag:$0x5], $0x8000, $0x38;
	[tilespmem:$0x1BC80] =	vst v63  }
0xd1: {  	v51 =	vld [tilespmem:s31+$0xFFFFFFF0]  }
0xd2: {  	v52 =	vld [tilespmem:s31+$0x0];
	_ =	sdelay $0x1  }
0xd3: {  	v13 =	vld [tilespmem:s1+$0xFFFFFF80]  }
0xd4: {  	v14 =	vld [tilespmem:s1+$0xFFFFFF90]  }
0xd5: {  	v12 =	vshll.u32 v51, $0x3  }
0xd6: {  	v10 =	vand.u32 $0x7F, v51;
	v53 =	vshll.u32 v52, $0x3;
	v12 =	vand.u32 $0xFFFFFC00, v12  }
0xd7: {  	v11 =	vand.u32 $0x7F, v52;
	v10 =	vor.u32 v10, v12;
	v12 =	vand.u32 $0xFFFFFC00, v53  }
0xd8: {  	v10 =	vadd.s32 v3, v10;
	v11 =	vor.u32 v11, v12  }
0xd9: {  	v11 =	vadd.s32 v4, v11;
	_ =	sdelay $0x1  }
0xda: {  	v54 =	vld.idx.msk [tilespmem:v13+s16+$0x0], $0xffff  }
0xdb: {  	v55 =	vld.idx.msk [tilespmem:v14+s16+$0x0], $0xffff  }
0xdc: {  	v10 =	vld.idx.msk [tilespmem:v10+s15+$0x0], $0xffff  }
0xdd: {  	v11 =	vld.idx.msk [tilespmem:v11+s15+$0x0], $0xffff;
	_ =	swait.ge [sflag:s29], $0x8000  }
0xde: {  	[sflag:s29] =	ssyncset.done $0x0  }
0xdf: {  	[sflag:s29] =	ssyncadd.s32 $0xFFFF8000  }
0xe0: {  	v56 =	vld [tilespmem:s1+$0x80];
	_ =	sdelay $0x4  }
0xe1: {  	v15 =	vshll.u32 v56, $0x3  }
0xe2: {  	v14 =	vand.u32 $0x7, v56;
	v15 =	vand.u32 $0xFFFFFFC0, v15  }
0xe3: {  	v14 =	vor.u32 v14, v15  }
0xe4: {  	v15 =	vperm.xlane v14, v0;
	_ =	sdelay $0x1  }
0xe5: {  	v15 =	vadd.s32 v1, v15;
	_ =	sdelay $0x4  }
0xe6: {  	[tilespmem:s17], [sflag:$0x1] =	stream.indirect_vreg.gather [hbm4b:s2+s3], $0x80, v15, vm0, $0xb8;
	[tilespmem:$0x1BC80] =	vst v63  }
0xe7: {  	s5 =	simm.s32 $0x4400;
	v14 =	vperm.xlane v14, v2  }
0xe8: {  	[tilespmem:s5], [sflag:$0x1] =	stream.indirect_vreg.gather [hbm4b:s7+s3], $0x80, v15, vm0, $0xb8;
	[tilespmem:$0x1BC80] =	vst v63  }
0xe9: {  	s4 =	simm.s32 $0x4C00;
	v14 =	vadd.s32 v1, v14  }
0xea: {  	[tilespmem:s4], [sflag:$0x1] =	stream.indirect_vreg.gather [hbm4b:s8+s3], $0x80, v15, vm0, $0xb8;
	[tilespmem:$0x1BC80] =	vst v63  }
0xeb: {  	_ = 	snop  }
0xec: {  	[tilespmem:s10], [sflag:$0x1] =	stream.indirect_vreg.gather [hbm4b:s9+s3], $0x80, v15, vm0, $0xb8;
	[tilespmem:$0x1BC80] =	vst v63  }
0xed: {  	_ = 	snop  }
0xee: {  	[tilespmem:s11], [sflag:$0x1] =	stream.indirect_vreg.gather [hbm4b:s2+s3], $0x80, v14, vm0, $0xb8;
	[tilespmem:$0x1BC80] =	vst v63  }
0xef: {  	_ = 	snop  }
0xf0: {  	[tilespmem:s12], [sflag:$0x1] =	stream.indirect_vreg.gather [hbm4b:s7+s3], $0x80, v14, vm0, $0xb8;
	[tilespmem:$0x1BC80] =	vst v63  }
0xf1: {  	_ = 	snop  }
0xf2: {  	[tilespmem:s13], [sflag:$0x1] =	stream.indirect_vreg.gather [hbm4b:s8+s3], $0x80, v14, vm0, $0xb8;
	[tilespmem:$0x1BC80] =	vst v63  }
0xf3: {  	_ = 	snop  }
0xf4: {  	[tilespmem:s14], [sflag:$0x1] =	stream.indirect_vreg.gather [hbm4b:s9+s3], $0x80, v14, vm0, $0xb8;
	[tilespmem:$0x1BC80] =	vst v63  }
0xf5: {  	v14 =	vld [tilespmem:s1+$0x90];
	_ =	sdelay $0x4  }
0xf6: {  	v57 =	vshll.u32 v14, $0x3  }
0xf7: {  	v14 =	vand.u32 $0x7, v14;
	v15 =	vand.u32 $0xFFFFFFC0, v57  }
0xf8: {  	v14 =	vor.u32 v14, v15  }
0xf9: {  	v15 =	vperm.xlane v14, v0;
	_ =	sdelay $0x1  }
0xfa: {  	v15 =	vadd.s32 v1, v15;
	_ =	sdelay $0x4  }
0xfb: {  	[tilespmem:s18], [sflag:$0x1] =	stream.indirect_vreg.gather [hbm4b:s2+s3], $0x80, v15, vm0, $0xb8;
	[tilespmem:$0x1BC80] =	vst v63  }
0xfc: {  	v14 =	vperm.xlane v14, v2  }
0xfd: {  	[tilespmem:s19], [sflag:$0x1] =	stream.indirect_vreg.gather [hbm4b:s7+s3], $0x80, v15, vm0, $0xb8;
	[tilespmem:$0x1BC80] =	vst v63  }
0xfe: {  	v14 =	vadd.s32 v1, v14  }
0xff: {  	[tilespmem:s20], [sflag:$0x1] =	stream.indirect_vreg.gather [hbm4b:s8+s3], $0x80, v15, vm0, $0xb8;
	[tilespmem:$0x1BC80] =	vst v63  }
0x100: {  	_ = 	snop  }
0x101: {  	[tilespmem:s21], [sflag:$0x1] =	stream.indirect_vreg.gather [hbm4b:s9+s3], $0x80, v15, vm0, $0xb8;
	[tilespmem:$0x1BC80] =	vst v63  }
0x102: {  	_ = 	snop  }
0x103: {  	[tilespmem:s22], [sflag:$0x1] =	stream.indirect_vreg.gather [hbm4b:s2+s3], $0x80, v14, vm0, $0xb8;
	[tilespmem:$0x1BC80] =	vst v63  }
0x104: {  	_ = 	snop  }
0x105: {  	[tilespmem:s23], [sflag:$0x1] =	stream.indirect_vreg.gather [hbm4b:s7+s3], $0x80, v14, vm0, $0xb8;
	[tilespmem:$0x1BC80] =	vst v63  }
0x106: {  	_ = 	snop  }
0x107: {  	[tilespmem:s24], [sflag:$0x1] =	stream.indirect_vreg.gather [hbm4b:s8+s3], $0x80, v14, vm0, $0xb8;
	[tilespmem:$0x1BC80] =	vst v63  }
0x108: {  	_ = 	snop  }
0x109: {  	[tilespmem:s6], [sflag:$0x1] =	stream.indirect_vreg.gather [hbm4b:s9+s3], $0x80, v14, vm0, $0xb8;
	[tilespmem:$0x1BC80] =	vst v63  }
0x10a: {  	_ =	swait.ge [sflag:s30], $0x8000  }
0x10b: {  	s4 =	rddreg [dreg:$0x4];
	[sflag:s30] =	ssyncset.done $0x0  }
0x10c: {  	[sflag:s30] =	ssyncadd.s32 $0xFFFF8000;
	s4 =	sadd.s32 s0, s4  }
0x10d: {  	[hbm4b:s4+s3] =	stream.linear.scatter [tilespmem:s26], [sflag:$0x6], $0x8000, $0x38;
	[tilespmem:$0x1BC80] =	vst v63  }
0x10e: {  	v58 =	vld [tilespmem:s31+$0x70];
	_ =	sdelay $0x1  }
0x10f: {  	v59 =	vld [tilespmem:s31+$0x80];
	_ =	sdelay $0x1  }
0x110: {  	v17 =	vld [tilespmem:s1+$0x0]  }
0x111: {  	v16 =	vshll.u32 v58, $0x3  }
0x112: {  	v18 =	vld [tilespmem:s1+$0x10];
	v14 =	vand.u32 $0x7F, v58;
	v16 =	vand.u32 $0xFFFFFC00, v16  }
0x113: {  	v60 =	vshll.u32 v59, $0x3;
	v14 =	vor.u32 v14, v16  }
0x114: {  	v15 =	vand.u32 $0x7F, v59;
	v16 =	vand.u32 $0xFFFFFC00, v60;
	v14 =	vadd.s32 v3, v14  }
0x115: {  	v15 =	vor.u32 v15, v16  }
0x116: {  	v6 =	vsub.f32 v47, v6;
	v15 =	vadd.s32 v4, v15;
	_ =	sdelay $0x1  }
0x117: {  	v5 =	vadd.f32 v6, v5;
	v6 =	vsub.f32 v48, v7;
	v61 =	vld.idx.msk [tilespmem:v17+s16+$0x0], $0xffff  }
0x118: {  	v7 =	vld.idx.msk [tilespmem:v14+s26+$0x0], $0xffff  }
0x119: {  	v5 =	vadd.f32 v6, v5;
	v6 =	vsub.f32 v54, v10;
	v63 =	vld.idx.msk [tilespmem:v18+s16+$0x0], $0xffff  }
0x11a: {  	v62 =	vld.idx.msk [tilespmem:v15+s26+$0x0], $0xffff  }
0x11b: {  	v5 =	vadd.f32 v6, v5;
	v6 =	vsub.f32 v55, v11;
	s0 =	sadd.s32 $0x3000, s0  }
0x11c: {  	p0 =	sne.s32 s0, $0x30000  }
.Ltmp0:
0x11d: {  	v5 =	vadd.f32 v6, v5;
	v6 =	vsub.f32 v61, v7;
	(pc) =	sbr.rel @p0 .LBB2_2-.Ltmp0, $3  }
0x11e: {  	_ = 	snop  }
0x11f: {  	v5 =	vadd.f32 v6, v5;
	v6 =	vsub.f32 v63, v62;
	_ =	sdelay $0x1  }
0x120: {  	s31 =	sadd.s32 $0x180, s31;
	s1 =	sadd.s32 $0x180, s1;
	v5 =	vadd.f32 v6, v5  }
0x121: {  	s1 =	simm.s32 $0x5  }
0x122: {  	_ =	swait.ge [sflag:s1], $0x8000  }
0x123: {  	[sflag:s1] =	ssyncset.done $0x0  }
0x124: {  	[sflag:s1] =	ssyncadd.s32 $0xFFFF8000  }
0x125: {  	v6 =	vld [tilespmem:$0x1880];
	_ =	sdelay $0x4  }
0x126: {  	v7 =	vshll.u32 v6, $0x3  }
0x127: {  	v6 =	vand.u32 $0x7, v6;
	v7 =	vand.u32 $0xFFFFFFC0, v7  }
0x128: {  	v6 =	vor.u32 v6, v7  }
0x129: {  	v7 =	vperm.xlane v6, v0;
	_ =	sdelay $0x1  }
0x12a: {  	v7 =	vadd.s32 v1, v7;
	_ =	sdelay $0x4  }
0x12b: {  	[tilespmem:s15], [sflag:$0x2] =	stream.indirect_vreg.gather [hbm4b:s2+s3], $0x80, v7, vm0, $0xb8;
	[tilespmem:$0x1BC80] =	vst v63  }
0x12c: {  	s0 =	simm.s32 $0xC400;
	v6 =	vperm.xlane v6, v2  }
0x12d: {  	[tilespmem:s0], [sflag:$0x2] =	stream.indirect_vreg.gather [hbm4b:s7+s3], $0x80, v7, vm0, $0xb8;
	[tilespmem:$0x1BC80] =	vst v63  }
0x12e: {  	s19 =	simm.s32 $0xCC00;
	v6 =	vadd.s32 v1, v6  }
0x12f: {  	[tilespmem:s19], [sflag:$0x2] =	stream.indirect_vreg.gather [hbm4b:s8+s3], $0x80, v7, vm0, $0xb8;
	[tilespmem:$0x1BC80] =	vst v63  }
0x130: {  	s20 =	simm.s32 $0xD400  }
0x131: {  	[tilespmem:s20], [sflag:$0x2] =	stream.indirect_vreg.gather [hbm4b:s9+s3], $0x80, v7, vm0, $0xb8;
	[tilespmem:$0x1BC80] =	vst v63  }
0x132: {  	s21 =	simm.s32 $0xDC00  }
0x133: {  	[tilespmem:s21], [sflag:$0x2] =	stream.indirect_vreg.gather [hbm4b:s2+s3], $0x80, v6, vm0, $0xb8;
	[tilespmem:$0x1BC80] =	vst v63  }
0x134: {  	s22 =	simm.s32 $0xE400  }
0x135: {  	[tilespmem:s22], [sflag:$0x2] =	stream.indirect_vreg.gather [hbm4b:s7+s3], $0x80, v6, vm0, $0xb8;
	[tilespmem:$0x1BC80] =	vst v63  }
0x136: {  	s23 =	simm.s32 $0xEC00  }
0x137: {  	[tilespmem:s23], [sflag:$0x2] =	stream.indirect_vreg.gather [hbm4b:s8+s3], $0x80, v6, vm0, $0xb8;
	[tilespmem:$0x1BC80] =	vst v63  }
0x138: {  	s24 =	simm.s32 $0xF400  }
0x139: {  	[tilespmem:s24], [sflag:$0x2] =	stream.indirect_vreg.gather [hbm4b:s9+s3], $0x80, v6, vm0, $0xb8;
	[tilespmem:$0x1BC80] =	vst v63  }
0x13a: {  	v6 =	vld [tilespmem:$0x1890];
	_ =	sdelay $0x4  }
0x13b: {  	v7 =	vshll.u32 v6, $0x3  }
0x13c: {  	v6 =	vand.u32 $0x7, v6;
	v7 =	vand.u32 $0xFFFFFFC0, v7  }
0x13d: {  	v6 =	vor.u32 v6, v7  }
0x13e: {  	v7 =	vperm.xlane v6, v0;
	_ =	sdelay $0x1  }
0x13f: {  	v7 =	vadd.s32 v1, v7;
	_ =	sdelay $0x3  }
0x140: {  	s4 =	simm.s32 $0xFC00  }
0x141: {  	[tilespmem:s4], [sflag:$0x2] =	stream.indirect_vreg.gather [hbm4b:s2+s3], $0x80, v7, vm0, $0xb8;
	[tilespmem:$0x1BC80] =	vst v63  }
0x142: {  	s6 =	simm.s32 $0x10400;
	v6 =	vperm.xlane v6, v2  }
0x143: {  	[tilespmem:s6], [sflag:$0x2] =	stream.indirect_vreg.gather [hbm4b:s7+s3], $0x80, v7, vm0, $0xb8;
	[tilespmem:$0x1BC80] =	vst v63  }
0x144: {  	s10 =	simm.s32 $0x10C00;
	v6 =	vadd.s32 v1, v6  }
0x145: {  	[tilespmem:s10], [sflag:$0x2] =	stream.indirect_vreg.gather [hbm4b:s8+s3], $0x80, v7, vm0, $0xb8;
	[tilespmem:$0x1BC80] =	vst v63  }
0x146: {  	s11 =	simm.s32 $0x11400  }
0x147: {  	[tilespmem:s11], [sflag:$0x2] =	stream.indirect_vreg.gather [hbm4b:s9+s3], $0x80, v7, vm0, $0xb8;
	[tilespmem:$0x1BC80] =	vst v63  }
0x148: {  	s12 =	simm.s32 $0x11C00  }
0x149: {  	[tilespmem:s12], [sflag:$0x2] =	stream.indirect_vreg.gather [hbm4b:s2+s3], $0x80, v6, vm0, $0xb8;
	[tilespmem:$0x1BC80] =	vst v63  }
0x14a: {  	s13 =	simm.s32 $0x12400  }
0x14b: {  	[tilespmem:s13], [sflag:$0x2] =	stream.indirect_vreg.gather [hbm4b:s7+s3], $0x80, v6, vm0, $0xb8;
	[tilespmem:$0x1BC80] =	vst v63  }
0x14c: {  	s14 =	simm.s32 $0x12C00  }
0x14d: {  	[tilespmem:s14], [sflag:$0x2] =	stream.indirect_vreg.gather [hbm4b:s8+s3], $0x80, v6, vm0, $0xb8;
	[tilespmem:$0x1BC80] =	vst v63  }
0x14e: {  	s18 =	simm.s32 $0x13400  }
0x14f: {  	[tilespmem:s18], [sflag:$0x2] =	stream.indirect_vreg.gather [hbm4b:s9+s3], $0x80, v6, vm0, $0xb8;
	[tilespmem:$0x1BC80] =	vst v63  }
0x150: {  	_ =	swait.ge [sflag:s25], $0x8000  }
0x151: {  	[sflag:s25] =	ssyncset.done $0x0  }
0x152: {  	s19 =	rddreg [dreg:$0x18];
	[sflag:s25] =	ssyncadd.s32 $0xFFFF8000  }
0x153: {  	[hbm4b:s19+s3] =	stream.linear.scatter [tilespmem:s17], [sflag:$0x4], $0x8000, $0x38;
	[tilespmem:$0x1BC80] =	vst v63  }
0x154: {  	v6 =	vld [tilespmem:$0x3400]  }
0x155: {  	v7 =	vld [tilespmem:$0x3410];
	_ =	sdelay $0x1  }
0x156: {  	v9 =	vld [tilespmem:$0x1800]  }
0x157: {  	v10 =	vld [tilespmem:$0x1810]  }
0x158: {  	v8 =	vshll.u32 v6, $0x3  }
0x159: {  	v6 =	vand.u32 $0x7F, v6;
	v57 =	vshll.u32 v7, $0x3;
	v8 =	vand.u32 $0xFFFFFC00, v8  }
0x15a: {  	v7 =	vand.u32 $0x7F, v7;
	v6 =	vor.u32 v6, v8;
	v8 =	vand.u32 $0xFFFFFC00, v57  }
0x15b: {  	v6 =	vadd.s32 v3, v6;
	v7 =	vor.u32 v7, v8  }
0x15c: {  	v7 =	vadd.s32 v4, v7;
	_ =	sdelay $0x1  }
0x15d: {  	v58 =	vld.idx.msk [tilespmem:v9+s16+$0x0], $0xffff  }
0x15e: {  	v59 =	vld.idx.msk [tilespmem:v10+s16+$0x0], $0xffff  }
0x15f: {  	v6 =	vld.idx.msk [tilespmem:v6+s17+$0x0], $0xffff  }
0x160: {  	v7 =	vld.idx.msk [tilespmem:v7+s17+$0x0], $0xffff;
	_ =	swait.ge [sflag:s28], $0x8000  }
0x161: {  	[sflag:s28] =	ssyncset.done $0x0  }
0x162: {  	s20 =	rddreg [dreg:$0x19];
	[sflag:s28] =	ssyncadd.s32 $0xFFFF8000  }
0x163: {  	[hbm4b:s20+s3] =	stream.linear.scatter [tilespmem:s15], [sflag:$0x5], $0x8000, $0x38;
	[tilespmem:$0x1BC80] =	vst v63  }
0x164: {  	v60 =	vld [tilespmem:$0x3480];
	_ =	sdelay $0x1  }
0x165: {  	v11 =	vld [tilespmem:$0x3490];
	_ =	sdelay $0x1  }
0x166: {  	v13 =	vld [tilespmem:$0x1880]  }
0x167: {  	v12 =	vshll.u32 v60, $0x3  }
0x168: {  	v14 =	vld [tilespmem:$0x1890];
	v10 =	vand.u32 $0x7F, v60;
	v12 =	vand.u32 $0xFFFFFC00, v12  }
0x169: {  	v61 =	vshll.u32 v11, $0x3;
	v10 =	vor.u32 v10, v12  }
0x16a: {  	v11 =	vand.u32 $0x7F, v11;
	v12 =	vand.u32 $0xFFFFFC00, v61;
	v10 =	vadd.s32 v3, v10  }
0x16b: {  	v11 =	vor.u32 v11, v12  }
0x16c: {  	v11 =	vadd.s32 v4, v11;
	_ =	sdelay $0x1  }
0x16d: {  	v62 =	vld.idx.msk [tilespmem:v13+s16+$0x0], $0xffff  }
0x16e: {  	v10 =	vld.idx.msk [tilespmem:v10+s15+$0x0], $0xffff  }
0x16f: {  	s21 =	simm.s32 $0x6;
	v6 =	vsub.f32 v58, v6;
	v63 =	vld.idx.msk [tilespmem:v14+s16+$0x0], $0xffff  }
0x170: {  	v11 =	vld.idx.msk [tilespmem:v11+s15+$0x0], $0xffff;
	_ =	swait.ge [sflag:s21], $0x8000  }
0x171: {  	v5 =	vadd.f32 v6, v5;
	v6 =	vsub.f32 v59, v7;
	[sflag:s21] =	ssyncset.done $0x0  }
0x172: {  	[sflag:s21] =	ssyncadd.s32 $0xFFFF8000  }
0x173: {  	v5 =	vadd.f32 v6, v5;
	_ =	swait.ge [sflag:s29], $0x8000;
	v6 =	vsub.f32 v62, v10  }
0x174: {  	[sflag:s29] =	ssyncset.done $0x0  }
0x175: {  	[sflag:s29] =	ssyncadd.s32 $0xFFFF8000;
	v5 =	vadd.f32 v6, v5;
	v6 =	vsub.f32 v63, v11  }
0x176: {  	_ =	swait.ge [sflag:s1], $0x8000  }
0x177: {  	[sflag:s1] =	ssyncset.done $0x0;
	v5 =	vadd.f32 v6, v5  }
0x178: {  	[sflag:s1] =	ssyncadd.s32 $0xFFFF8000  }
0x179: {  	s23 =	simm.s32 $0x1BC00;
	s22 =	rddreg [dreg:$0x1a];
	s1 =	simm.s32 $0x7;
	[tilespmem:$0x1BC00] =	vst v5  }
0x17a: {  	[hbm4b:s22+s3] =	stream.linear.scatter [tilespmem:s23], [sflag:$0x7], $0x80, $0x38;
	[tilespmem:$0x1BC80] =	vst v63  }
0x17b: {  	_ =	swait.ge [sflag:s1], $0x80  }
0x17c: {  	s4 =	rddreg [dreg:$0x1c]  }
0x17d: {  	s24 =	rddreg [dreg:$0x1b];
	s4 =	sadd.s32 $0x1, s4  }
0x17e: {  	s31 =	simm.s32 $0xB400;
	s6 =	simm.s32 $0x4C00;
	p0 =	sne.s32 s4, s24  }
.Ltmp1:
0x17f: {  	s10 =	simm.s32 $0x5400;
	s11 =	simm.s32 $0x5C00;
	(pc) =	sbr.rel @p0 .LBB2_1-.Ltmp1, $4  }
0x180: {  	s12 =	simm.s32 $0x6400;
	s13 =	simm.s32 $0x6C00;
	s14 =	simm.s32 $0x7400  }
0x181: {  	s18 =	simm.s32 $0x7C00;
	s19 =	simm.s32 $0x8400;
	s20 =	simm.s32 $0x8C00  }
0x182: {  	s21 =	simm.s32 $0x9400;
	s22 =	simm.s32 $0x9C00;
	[sflag:s1] =	ssyncset.done $0x0  }
0x183: {  	s23 =	simm.s32 $0xA400;
	[sflag:s1] =	ssyncadd.s32 $0xFFFFFF80;
	s24 =	simm.s32 $0xAC00  }
0x184: {  	_ =	sfence.sel $0x180000  }
0x185: {  	[bflag:$0x0] =	sbarrier.arrive $0xFFFF  }
0x186: {  	_ =	strace $0x90000047  }
0x187: {  	s0 =	stileid.u32;
	[bflag:$0x2] =	sbarrier.arrive $0xFFFF  }
0x188: {  	p0 =	sne.s32 s0, $0x0;
	s0 =	rddreg [dreg:$0x2]  }
0x189: {  	s0 =	sadd.s32 @!p0 $0x100000, s0  }
0x18a: {  	[sflag:s0] =	ssyncadd.tile.s32 @!p0 $0x1;
	_ =	shalt  }
.Lfunc_end2:
_tile_overlayer_lowered:
.L_overlay_start_2:
0x18b: {  	(tag) =	ssettag $0x2  }
0x18c: {  	s0 =	rddreg [dreg:$0x0];
	s2 =	stileid.u32  }
0x18d: {  	s1 =	rddreg [dreg:$0x1];
	p0 =	sne.s32 s2, $0x0  }
0x18e: {  	s3 =	rddreg [dreg:$0x2];
	[bflag:$0x3] =	sbarrier.arrive $0xFFFF;
	s2 =	simm.s32 @!p0 $0x1C07  }
0x18f: {  	[timem:s3], [sflag:s2] =	dma.local @!p0 [hbm:s0], s1  }
0x190: {  	s0 =	simm.s32 @!p0 $0x7  }
0x191: {  	_ =	swait.ge @!p0 [sflag:s0], s1  }
0x192: {  	s1 =	ssub.s32 @!p0 $0x0, s1;
	[sflag:s0] =	ssyncset.done @!p0 $0x0  }
0x193: {  	[sflag:s0] =	ssyncadd.s32 @!p0 s1  }
0x194: {  	[bflag:$0x3] =	sbarrier.arrive $0xFFFF  }
0x195: {  	_ =	shalt  }

// kernel: sparse-core-data-format-call.cloned.1.call-start
scs
called_computation_lowered:
.L_overlay_start_0:
0x0: {  	s2 =	sld [smem:$0x3FD9]  }
0x1: {  	s3 =	sld [smem:$0x3FFE];
	_ =	sdelay $0x1  }
0x2: {  	s1 =	srdreg.scid  }
0x3: {  	s0 =	sand.u32 $0x1, s1  }
0x4: {  	s15 =	sshll.u32 s0, $0xA;
	s2 =	sadd.s32 s3, s2  }
0x5: {  	s2 =	sadd.s32 s2, s15  }
0x6: {  	[smem:$0x3FC5] =	sst s2  }
0x7: {  	_ = 	snop  }
0x8: {  	s2 =	sld [smem:$0x3FD0];
	_ =	sdelay $0x2  }
0x9: {  	s16 =	simm.s32 $0xA;
	s4 =	simm.s32 $0x10  }
0xa: {  	[smem:s4], [sflag:s16] =	dma.local [hbm:s2], $0x1  }
0xb: {  	_ =	swait.eq [sflag:s16], $0x1  }
0xc: {  	[sflag:s16] =	ssyncset.done $0x0  }
0xd: {  	[sflag:s16] =	ssyncadd.s32 $0xFFFFFFFF  }
0xe: {  	s17 =	sld [smem:$0x11];
	(tm) =	ssettm $0x1  }
0xf: {  	s18 =	sld [smem:$0x3FFB];
	_ =	sdelay $0x3  }
0x10: {  	_ =	strace s18  }
0x11: {  	s3 =	sld [smem:$0x3FFC];
	_ =	sdelay $0x3  }
0x12: {  	_ =	strace s3  }
0x13: {  	s3 =	sld [smem:$0x3FFD];
	_ =	sdelay $0x3  }
0x14: {  	_ =	strace s3  }
0x15: {  	_ =	strace $0x8FFFFFFF  }
0x16: {  	s19 =	sld [smem:$0x3FDB];
	_ =	sdelay $0x1  }
0x17: {  	s20 =	simm.s32 $_scs_section_size  }
0x18: {  	s5 =	simm.s32 $_size__tile_overlayer_lowered;
	s6 =	simm.s32 $_tile_overlayer_lowered  }
0x19: {  	s23 =	simm.s32 $0x1BFF;
	s22 =	sshll.u32 s6, $0x1;
	s3 =	sadd.s32 s20, s19  }
0x1a: {  	s7 =	simm.s32 $0x0;
	s21 =	sshll.u32 s5, $0x1;
	s5 =	sadd.s32 s22, s3  }
0x1b: {  	[timem:s7], [sflag:s23] =	dma.local [hbm:s5], s21  }
0x1c: {  	_ =	swait.ge [sflag:s23], s21  }
0x1d: {  	s4 =	ssub.s32 $0x0, s21;
	[sflag:s23] =	ssyncset.done $0x0  }
0x1e: {  	[sflag:s23] =	ssyncadd.s32 s4;
	_ =	sdelay $0x1  }
0x1f: {  	s24 =	simm.s32 $0x1B8B  }
0x20: {  	_ =	swait.ge [sflag:s24], $0x1  }
0x21: {  	[sflag:s24] =	ssyncset.done $0x0  }
0x22: {  	s26 =	simm.s32 $0x1B8E;
	s25 =	sld [smem:$0x3FFE];
	[sflag:s24] =	ssyncadd.s32 $0xFFFFFFFF  }
0x23: {  	s27 =	simm.s32 $execute0_lowered;
	[smem:$0x3FD2] =	sst s26  }
0x24: {  	s5 =	sshll.u32 s27, $0x1;
	_ =	strace $0x80000049;
	[dreg:$0x1] =	wrdreg $0xFFFFFFFF  }
0x25: {  	s28 =	simm.s32 $_size_execute0_lowered;
	s3 =	sadd.s32 s3, s5;
	[dreg:$0x0] =	wrdreg $0x0  }
0x26: {  	s5 =	sshll.u32 s28, $0x1;
	[dreg:$0x2] =	wrdreg s3  }
0x27: {  	[dreg:$0x3] =	wrdreg s5  }
0x28: {  	[dreg:$0x4] =	wrdreg $0xC0  }
0x29: {  	_ =	task [dreg:s7], $0x5FFFF  }
0x2a: {  	[dreg:$0x1] =	wrdreg $0xFFFFFFFF  }
0x2b: {  	[dreg:$0x0] =	wrdreg $0x60  }
0x2c: {  	[dreg:$0x2] =	wrdreg s25  }
0x2d: {  	[dreg:$0x3] =	wrdreg s17  }
0x2e: {  	[dreg:$0x4] =	wrdreg $0x9  }
0x2f: {  	_ =	task.clear_ibuf [dreg:s7], $0x5FFFF;
	_ =	strace $0x90000049  }
0x30: {  	s29 =	simm.s32 $0x9;
	_ =	strace $0x8000004B  }
0x31: {  	_ =	swait.ge [sflag:s29], $0x1  }
0x32: {  	[sflag:s29] =	ssyncadd.s32 $0xFFFFFFFF  }
0x33: {  	_ =	strace $0x9000004B  }
0x34: {  	_ =	sfence  }
0x35: {  	s30 =	sld [smem:$0x0];
	_ =	sdelay $0x2  }
0x36: {  	s31 =	sshll.u32 s1, $0xD;
	s1 =	sshrl.u32 s1, $0x2  }
0x37: {  	s3 =	sand.u32 $0x4000, s31;
	s1 =	sadd.s32 s1, s30  }
0x38: {  	s0 =	sor.u32 s3, s0;
	s1 =	sshll.u32 s1, $0x11  }
0x39: {  	s0 =	sor.u32 s1, s0  }
0x3a: {  	s0 =	sadd.s32 $0x8F2B, s0  }
0x3b: {  	[sflag:s0] =	ssyncadd.remote.s32 $0x1  }
0x3c: {  	_ =	sfence.sel $0xFFFF  }
0x3d: {  	[dreg:$0x0] =	wrdreg $0xFFFFFFFF;
	(pc) =	sbr.abs _section_cstart, $3  }
0x3e: {  	[dreg:$0x1] =	wrdreg $0xFFFFFFFF  }
0x3f: {  	_ =	task.clear_ibuf [dreg:s7], $0x2FFFF;
	_ =	strace $0x9FFFFFFF  }
0x40: {  	(tm) =	ssettm $0x7FFFFFFF  }
0x41: {  	_ =	shalt  }
tec
execute0_lowered:
.L_overlay_start_1:
0x0: {  	(tag) =	ssettag $0x1  }
0x1: {  	s4 =	rddreg [dreg:$0x0]  }
0x2: {  	s2 =	rddreg [dreg:$0x1];
	s1 =	stileid.u32  }
0x3: {  	s3 =	srdreg.scid;
	s0 =	rddreg [dreg:$0x2];
	_ =	strace $0x8000004A  }
0x4: {  	s10 =	simm.s32 $0x2;
	s14 =	simm.s32 $0x0;
	s16 =	simm.s32 $0x0  }
0x5: {  	s12 =	simm.s32 $0x0;
	s15 =	simm.s32 $0x0;
	s3 =	sshll.u32 s3, $0x4  }
0x6: {  	s5 =	sshll.u32 s1, $0x7;
	s4 =	sadd.s32 $0xF600, s4;
	s6 =	sand.u32 $0x10, s3  }
0x7: {  	s3 =	sand.u32 $0x180, s5;
	s5 =	simm.s32 $0x1;
	s8 =	sor.u32 s1, s6  }
0x8: {  	s31 =	ssub.s32 $0xC800, s3;
	[sflag:s5] =	ssyncpa.u1 $0x0;
	s13 =	smov.u32 s3  }
.Ltmp0:
0x9: {  	s7 =	sshll.u32 s8, $0x5;
	s9 =	sand.u32 $0x180, s31;
	(pc) =	sbr.rel .LBB1_1-.Ltmp0, $4  }
0xa: {  	s11 =	sshrl.u32 s31, $0x9;
	p0 =	sne.s32 s9, $0x0;
	s9 =	simm.s32 $0x1  }
0xb: {  	[sflag:s10] =	ssyncpa.u1 $0x0;
	s8 =	sshll.u32 s8, $0x8;
	s9 =	simm.s32 @!p0 $0x0  }
0xc: {  	s10 =	simm.s32 $0x64000;
	s6 =	sand.u32 $0x380, s7;
	s7 =	sadd.s32 s9, s11  }
0xd: {  	p0 =	por $0x0, $0x0;
	s11 =	simm.s32 $0x0;
	s9 =	sadd.s32 $0x1, s7  }
.LBB1_4:
0xe: {  	s22 =	sshrl.u32 s11, $0x3  }
0xf: {  	s23 =	sshll.u32 s12, $0x3;
	s24 =	sand.u32 $0x7F, s12;
	s22 =	smul.u32 $0x64000, s22  }
0x10: {  	v5 =	vld [tilespmem:s18+$0xFFFFFFD0];
	s21 =	sshra.s32 s21, $0x2;
	s25 =	sshra.s32 s12, $0x1F;
	s23 =	sand.u32 $0xFFFFFC00, s23  }
0x11: {  	[tilespmem:s20+$0x2040 ss:$0x81] =	vst.msk $0xffff, v4;
	v58 =	vld [tilespmem:s18+$0xFFFFFFE0];
	p1 =	sgt.s32 s12, $0xC780;
	s25 =	sand.u32 s25, s12;
	s22 =	sadd.s32 s23, s22  }
0x12: {  	[tilespmem:s20+$0x2850 ss:$0x81] =	vst.msk $0xffff, v3;
	v59 =	vld [tilespmem:s18+$0xFFFFFFF0];
	s23 =	sor.u32 s24, s22;
	s22 =	smulhi.u32 $0x51EB851F, s22;
	s24 =	smov.u32 s12  }
0x13: {  	[tilespmem:s20+$0x3060 ss:$0x81] =	vst.msk $0xffff, v2;
	v60 =	vld [tilespmem:s18+$0x0];
	s19 =	sadd.s32 s21, s19;
	s26 =	smulhi.u32 $0x51EB851F, s23;
	s24 =	simm.s32 @!p1 $0xC780  }
0x14: {  	[tilespmem:s20+$0x0 ss:$0x81] =	vst.msk $0xffff, v0;
	v61 =	vld [tilespmem:s18+$0x10];
	p1 =	sgt.s32 s11, $0x368;
	s28 =	sshrl.u32 s22, $0xE;
	s29 =	ssub.s32 s24, s25  }
0x15: {  	[tilespmem:s19+$0x3870 ss:$0x81] =	vst.msk $0xffff, v1;
	s30 =	sshrl.u32 s26, $0xE;
	s31 =	smulhi.u32 $0x418938, s28;
	s25 =	sadd.s32 $0xFFFF3880, s29  }
0x16: {  	v62 =	vld [tilespmem:s18+$0x20];
	[tilespmem:s19+$0x810 ss:$0x81] =	vst.msk $0xffff, v5;
	s22 =	smul.u32 $0xC800, s30;
	p2 =	sgt.s32 s25, $0x7F;
	s25 =	smov.u32 s11  }
0x17: {  	v63 =	vld [tilespmem:s18+$0xFFFFFFC0];
	[tilespmem:s19+$0x1020 ss:$0x81] =	vst.msk $0xffff, v58;
	s21 =	ssub.s32 $0xC800, s29;
	s25 =	simm.s32 @!p1 $0x368;
	s26 =	smul.u32 $0x3E8, s31  }
0x18: {  	[tilespmem:s19+$0x1830 ss:$0x81] =	vst.msk $0xffff, v59;
	s21 =	simm.s32 @p2 $0x0;
	s27 =	ssub.s32 $0x3E8, s25  }
0x19: {  	[tilespmem:s19+$0x2040 ss:$0x81] =	vst.msk $0xffff, v60;
	s22 =	ssub.s32 s23, s22;
	s18 =	ssub.s32 s28, s26;
	s28 =	smul.u32 s27, s21  }
0x1a: {  	[tilespmem:s19+$0x2850 ss:$0x81] =	vst.msk $0xffff, v61;
	s29 =	sshrl.u32 s22, $0x3;
	s22 =	sand.u32 $0x7, s22;
	s18 =	smul.u32 $0x1900, s18  }
0x1b: {  	[tilespmem:s19+$0x3060 ss:$0x81] =	vst.msk $0xffff, v62;
	s21 =	sadd.s32 s2, s29;
	s22 =	sshll.u32 s22, $0x12  }
0x1c: {  	[tilespmem:s19+$0x0 ss:$0x81] =	vst.msk $0xffff, v63;
	s30 =	sand.u32 $0x3FFFFFF8, s28;
	s31 =	sor.u32 $0x400, s22;
	s18 =	sadd.s32 s18, s21  }
0x1d: {  	[hbm4b:s18+s31] =	stream.strided.scatter [tilespmem:s17], [sflag:$0x2], s30, s10, s31, $0x20;
	[tilespmem:$0x10100] =	vst v63  }
.LBB1_5:
0x1e: {  	p1 =	slt.u32 s15, $0x2  }
0x1f: {  	p2 =	sgt.s32 @!p1 s16, $0xC780  }
0x20: {  	s17 =	smov.u32 s16;
	s18 =	sshra.s32 @!p1 s16, $0x1F;
	p2 =	por !p2, p1  }
0x21: {  	s16 =	sand.u32 @!p1 s18, s16;
	s17 =	simm.s32 @p2 $0xC780  }
0x22: {  	s16 =	ssub.s32 @!p1 s17, s16  }
0x23: {  	p2 =	sgt.s32 @!p1 s14, $0x368;
	s17 =	sadd.s32 @!p1 $0xFFFF3880, s16  }
0x24: {  	s18 =	sadd.s32 $0x200, s13;
	p2 =	por !p2, p1;
	p3 =	sgt.s32 @!p1 s17, $0x7F  }
0x25: {  	s14 =	simm.s32 @p2 $0x368;
	s16 =	ssub.s32 @!p1 $0xC800, s16;
	p2 =	por !p3, p1  }
0x26: {  	s14 =	ssub.s32 @!p1 $0x3E8, s14;
	s16 =	simm.s32 @!p2 $0x0;
	p2 =	sgt.s32 s18, $0xC7FF  }
0x27: {  	s14 =	smul.u32 @!p1 s14, s16;
	s18 =	smov.u32 @p2 s3;
	p2 =	sne.s32 s15, s9  }
.Ltmp1:
0x28: {  	s20 =	sadd.s32 $0x1, s15;
	p0 =	por !p0, !p0;
	(pc) =	sbr.rel @!p2 .LBB1_6-.Ltmp1, $4  }
0x29: {  	s17 =	simm.s32 @!p1 $0x2;
	s16 =	smov.u32 s12;
	s14 =	sand.u32 @!p1 $0x3FFFFFFF, s14  }
0x2a: {  	s12 =	smov.u32 s13;
	s15 =	smov.u32 s20;
	_ =	swait.ge @!p1 [sflag:s17], s14  }
0x2b: {  	s13 =	smov.u32 s18;
	s19 =	ssub.s32 @!p1 $0x0, s14;
	[sflag:s17] =	ssyncset.done @!p1 $0x0  }
0x2c: {  	s14 =	smov.u32 s11;
	s11 =	smov.u32 s6;
	[sflag:s17] =	ssyncadd.s32 @!p1 s19  }
.LBB1_1:
0x2d: {  	p1 =	sge.u32 s15, s7  }
0x2e: {  	s17 =	sshll.u32 @!p1 s13, $0xA  }
0x2f: {  	s17 =	sand.u32 @!p1 $0xFFFFE000, s17  }
0x30: {  	s17 =	sor.u32 @!p1 s8, s17  }
0x31: {  	s17 =	sshrl.u32 @!p1 s17, $0xA  }
0x32: {  	s18 =	smulhi.u32 @!p1 $0x28F5C3, s17;
	_ =	sdelay $0x1  }
0x33: {  	s18 =	sshrl.u32 @!p1 s18, $0x5  }
0x34: {  	s18 =	smul.u32 @!p1 $0xC800, s18  }
0x35: {  	s31 =	sadd.s32 $0xFFFFFFFF, s15;
	s19 =	sxor.u32 @!p1 $0xFFFFFFFF, s15;
	s20 =	sshll.u32 @!p1 s13, $0x4  }
0x36: {  	s19 =	sshll.u32 @!p1 s19, $0xE;
	s17 =	ssub.s32 @!p1 s17, s18;
	s18 =	sand.u32 @!p1 $0x70, s20  }
0x37: {  	s19 =	sand.u32 @!p1 $0x4000, s19;
	s17 =	sshll.u32 @!p1 s17, $0x7;
	s18 =	sadd.s32 @!p1 s4, s18  }
0x38: {  	s20 =	simm.s32 @!p1 $0x2000;
	s17 =	sadd.s32 @!p1 s17, s18;
	s18 =	simm.s32 @!p1 $0x400  }
0x39: {  	[tilespmem:s19], [sflag:$0x1] =	stream.strided.gather @!p1 [hbm4b:s17+s18], $0x4000, s20, s18, $0x38;
	[tilespmem:$0x10100] =	vst v63  }
0x3a: {  	p1 =	sge.u32 s31, s7  }
.Ltmp2:
0x3b: {  	_ = 	snop;
	(pc) =	sbr.rel @p1 .LBB1_5-.Ltmp2, $1  }
0x3c: {  	_ =	sdelay $0x3  }
0x3d: {  	s17 =	simm.s32 $0x1  }
0x3e: {  	_ =	swait.ge [sflag:s5], $0x4000;
	s17 =	simm.s32 @!p0 $0x0  }
0x3f: {  	[sflag:s5] =	ssyncset.done $0x0;
	s18 =	sshll.u32 s17, $0xE  }
0x40: {  	[sflag:s5] =	ssyncadd.s32 $0xFFFFC000;
	s18 =	sor.u32 $0x40, s18  }
0x41: {  	s17 =	smul.u32 $0x10200, s17;
	v0 =	vld [tilespmem:s18+$0x30]  }
0x42: {  	v1 =	vld [tilespmem:s18+$0xFFFFFFD0]  }
0x43: {  	s17 =	sshrl.u32 s17, $0x2;
	v5 =	vld [tilespmem:s18+$0xFFFFFFE0]  }
0x44: {  	v6 =	vld [tilespmem:s18+$0xFFFFFFF0];
	s19 =	sor.u32 $0x8000, s17  }
0x45: {  	s31 =	sand.u32 $0x1, s15;
	v4 =	vld [tilespmem:s18+$0x0];
	s20 =	sadd.s32 $0x0, s19  }
0x46: {  	v3 =	vld [tilespmem:s18+$0x10];
	s17 =	smul.u32 $0x10200, s31;
	[tilespmem:s20+$0x3870 ss:$0x81] =	vst.msk $0xffff, v0  }
0x47: {  	v2 =	vld [tilespmem:s18+$0x20];
	[tilespmem:s20+$0x810 ss:$0x81] =	vst.msk $0xffff, v1  }
0x48: {  	s17 =	sshrl.u32 s17, $0x2;
	v0 =	vld [tilespmem:s18+$0xFFFFFFC0];
	[tilespmem:s20+$0x1020 ss:$0x81] =	vst.msk $0xffff, v5;
	s18 =	sadd.s32 $0x80, s18  }
0x49: {  	s21 =	simm.s32 $0x4;
	s22 =	simm.s32 $0x8;
	s17 =	sor.u32 $0x8000, s17;
	[tilespmem:s20+$0x1830 ss:$0x81] =	vst.msk $0xffff, v6;
	v1 =	vld [tilespmem:s18+$0x30]  }
.LBB1_3:
0x4a: {  	p1 =	sne.s32 s22, $0x1FC;
	v5 =	vld [tilespmem:s18+$0xFFFFFFD0];
	[tilespmem:s20+$0x2040 ss:$0x81] =	vst.msk $0xffff, v4  }
0x4b: {  	v6 =	vld [tilespmem:s18+$0xFFFFFFE0];
	[tilespmem:s20+$0x2850 ss:$0x81] =	vst.msk $0xffff, v3  }
0x4c: {  	s23 =	sshra.s32 s21, $0x2;
	s21 =	smov.u32 s22;
	v7 =	vld [tilespmem:s18+$0xFFFFFFF0];
	[tilespmem:s20+$0x3060 ss:$0x81] =	vst.msk $0xffff, v2  }
.Ltmp3:
0x4d: {  	v4 =	vld [tilespmem:s18+$0x0];
	[tilespmem:s20+$0x0 ss:$0x81] =	vst.msk $0xffff, v0;
	s20 =	sadd.s32 s23, s19;
	(pc) =	sbr.rel @p1 .LBB1_3-.Ltmp3, $4  }
0x4e: {  	v3 =	vld [tilespmem:s18+$0x10];
	[tilespmem:s20+$0x3870 ss:$0x81] =	vst.msk $0xffff, v1  }
0x4f: {  	[tilespmem:s20+$0x810 ss:$0x81] =	vst.msk $0xffff, v5;
	v2 =	vld [tilespmem:s18+$0x20]  }
0x50: {  	v0 =	vld [tilespmem:s18+$0xFFFFFFC0];
	[tilespmem:s20+$0x1020 ss:$0x81] =	vst.msk $0xffff, v6;
	s18 =	sadd.s32 $0x80, s18  }
0x51: {  	s22 =	sadd.s32 $0x4, s22;
	v1 =	vld [tilespmem:s18+$0x30];
	[tilespmem:s20+$0x1830 ss:$0x81] =	vst.msk $0xffff, v7  }
.Ltmp4:
0x52: {  	_ = 	snop;
	(pc) =	sbr.rel .LBB1_4-.Ltmp4, $1  }
0x53: {  	_ =	sdelay $0x3  }
.LBB1_6:
0x54: {  	_ =	sfence.sel $0x180000  }
0x55: {  	s2 =	simm.s32 $0x1;
	[bflag:$0x0] =	sbarrier.arrive $0xFFFF  }
0x56: {  	s31 =	simm.s32 $0x2;
	[sflag:s2] =	ssyncpa.u1 $0x1  }
0x57: {  	[sflag:s31] =	ssyncpa.u1 $0x1  }
0x58: {  	p0 =	sne.s32 s1, $0x0;
	_ =	strace $0x9000004A  }
0x59: {  	s0 =	sadd.s32 @!p0 $0x100000, s0;
	[bflag:$0x2] =	sbarrier.arrive $0xFFFF  }
0x5a: {  	[sflag:s0] =	ssyncadd.tile.s32 @!p0 $0x1;
	_ =	shalt  }
.Lfunc_end1:
_tile_overlayer_lowered:
.L_overlay_start_2:
0x5b: {  	(tag) =	ssettag $0x2  }
0x5c: {  	s0 =	rddreg [dreg:$0x0];
	s2 =	stileid.u32  }
0x5d: {  	s1 =	rddreg [dreg:$0x1];
	p0 =	sne.s32 s2, $0x0  }
0x5e: {  	s3 =	rddreg [dreg:$0x2];
	[bflag:$0x3] =	sbarrier.arrive $0xFFFF;
	s2 =	simm.s32 @!p0 $0x1C01  }
0x5f: {  	[timem:s3], [sflag:s2] =	dma.local @!p0 [hbm:s0], s1  }
0x60: {  	s0 =	simm.s32 @!p0 $0x1  }
0x61: {  	_ =	swait.ge @!p0 [sflag:s0], s1  }
0x62: {  	s1 =	ssub.s32 @!p0 $0x0, s1;
	[sflag:s0] =	ssyncset.done @!p0 $0x0  }
0x63: {  	[sflag:s0] =	ssyncadd.s32 @!p0 s1  }
0x64: {  	[bflag:$0x3] =	sbarrier.arrive $0xFFFF  }
0x65: {  	_ =	shalt  }

</sc_bundles>
